<compile_context>
chip_gen: v7x
topology: tpu7x:2x2x1
jax: 0.10.2.dev20260603
libtpu: 0.0.44.dev20260713+nightly
codegen_flags: <defaults>
</compile_context>

<pallas_src>
import functools

import jax
import jax.numpy as jnp
from jax import lax
from jax.experimental import pallas as pl
from jax.experimental.pallas import tpu as pltpu
from jax.experimental.pallas import tpu_sc as plsc

NC = 2
NS = 16
NW = NC * NS

LANES = 16
ISLAB = 128
JQ = 50


def _pair_table_body(e_ref, w_ref, b_ref, o_ref):
    h = (
        jnp.dot(e_ref[...], w_ref[...], preferred_element_type=jnp.float32)
        + b_ref[...]
    )
    v, d = h.shape
    a = jnp.broadcast_to(h[:, None, :], (v, v, d))
    bb = jnp.broadcast_to(h[None, :, :], (v, v, d))
    o_ref[...] = jnp.concatenate([a, bb], axis=-1)


def _make_sc_gather(bs, sl, v, d):
    d2 = 2 * d
    assert d2 == LANES and sl % (2 * JQ) == 0 and bs % (NW * ISLAB) == 0
    rows_i = bs // NW
    nslab_i = rows_i // ISLAB
    nslab_j = sl // JQ
    slab_tok = ISLAB * sl
    gp = JQ // 2
    nsub = ISLAB // LANES
    ngrp = gp * nsub
    tsz = v * v * d2

    mesh = plsc.VectorSubcoreMesh(core_axis_name="c", subcore_axis_name="s")

    @functools.partial(
        pl.kernel,
        out_type=jax.ShapeDtypeStruct((sl, d, bs), jnp.float32),
        mesh=mesh,
        scratch_types=[
            pltpu.VMEM((sl, ISLAB), jnp.int32),
            pltpu.VMEM((tsz,), jnp.float32),
            pltpu.VMEM((JQ, d, ISLAB), jnp.float32),
        ],
        compiler_params=pltpu.CompilerParams(
            use_tc_tiling_on_sc=True, needs_layout_passes=False
        ),
    )
    def sc_gather(x_hbm, t2_hbm, out_hbm, xbig, t2t, rows):
        wid = lax.axis_index("s") * NC + lax.axis_index("c")
        pltpu.sync_copy(t2_hbm, t2t)

        iota = lax.iota(jnp.int32, LANES)
        zero = iota * 0
        kvs = [zero + k for k in range(d)]
        wi0 = wid * rows_i

        def islab(si, carry):
            pltpu.sync_copy(
                x_hbm.at[slice(None), pl.ds(wi0 + si * ISLAB, ISLAB)], xbig
            )

            def jslab(jq, carry2):
                @plsc.parallel_loop(0, ngrp, unroll=4)
                def group(q):
                    g = q >> 3
                    sub = q & (nsub - 1)
                    ivec = sub * LANES + iota
                    jv0 = zero + (jq * JQ + 2 * g)
                    jv1 = jv0 + 1
                    ev = plsc.load_gather(xbig, [jv0, ivec])
                    od = plsc.load_gather(xbig, [jv1, ivec])
                    p16 = (ev * v + od) * d2
                    rj0 = zero + 2 * g
                    rj1 = rj0 + 1
                    for c in range(d2):
                        vals = plsc.load_gather(t2t, [p16 + c])
                        plsc.store_scatter(
                            rows,
                            [rj0 if c < d else rj1, kvs[c % d], ivec],
                            vals,
                        )

                pltpu.sync_copy(
                    rows,
                    out_hbm.at[
                        pl.ds(jq * JQ, JQ),
                        slice(None),
                        pl.ds(wi0 + si * ISLAB, ISLAB),
                    ],
                )
                return carry2

            lax.fori_loop(0, nslab_j, jslab, 0)
            return carry

        lax.fori_loop(0, nslab_i, islab, 0)

    return sc_gather


def kernel(x, embed_table, W, b):
    bs, sl = x.shape
    v = embed_table.shape[0]
    d = W.shape[1]
    t2 = pl.pallas_call(
        _pair_table_body,
        out_shape=jax.ShapeDtypeStruct((v, v, 2 * d), jnp.float32),
    )(embed_table, W, b.reshape(1, d))
    xt = jnp.transpose(x)
    jki = _make_sc_gather(bs, sl, v, d)(xt, t2.reshape(v * v * 2 * d))
    return jnp.transpose(jki, (2, 0, 1))

# --- scband reference (transcript-rebuilt; emitter-appended) ---
"""Pipeline reference for scband-net-9440338117283 (READ-ONLY COPY).

The authoritative reference and input builder live on the scoring server;
editing this copy changes nothing except your own understanding.
"""

import jax, jax.numpy as jnp
import numpy as np


def setup_inputs(seed: int = 0) -> dict:
    key = jax.random.key(seed)
    k1, k2, k3, k4 = jax.random.split(key, 4)
    x = jax.random.randint(k1, (16384, 200), 0, 20, dtype=jnp.int64) if jax.config.jax_enable_x64 else jax.random.randint(k1, (16384, 200), 0, 20, dtype=jnp.int32)
    embed_table = jax.random.normal(k2, (20, 4), dtype=jnp.float32)
    # Linear(4, 8): weight [8, 4], bias [8] in torch; use W [4, 8] for x @ W + b
    W = jax.random.normal(k3, (4, 8), dtype=jnp.float32) * (1.0 / np.sqrt(4.0))
    b = jax.random.normal(k4, (8,), dtype=jnp.float32) * 0.01
    return {"x": x, "embed_table": embed_table, "W": W, "b": b}


def reference(x, embed_table, W, b):
    # embedding lookup (gather)
    h = jnp.take(embed_table, x, axis=0)  # [B, L, 4]
    # linear projection
    out = jnp.dot(h, W) + b  # [B, L, 8]
    return out

if __name__ == "__main__":
    import jax
    _d = setup_inputs()
    print(jax.jit(kernel)(*tuple(_d.values())))

</pallas_src>

<mosaic_0001>
#map = affine_map<(d0, d1) -> (0, 0)>
#map1 = affine_map<(d0, d1) -> (0)>
#map2 = affine_map<(d0, d1) -> (0, 0, 0)>
module attributes {stable_mosaic.version = 14 : i64} {
  func.func @sc_gather(%arg0: i32, %arg1: i32, %arg2: memref<200x16384xi32, #tpu.memory_space<hbm>>, %arg3: memref<6400xf32, #tpu.memory_space<hbm>>, %arg4: memref<200x8x16384xf32, #tpu.memory_space<hbm>>, %arg5: memref<200x128xi32, #tpu.memory_space<vmem>>, %arg6: memref<6400xf32, #tpu.memory_space<vmem>>, %arg7: memref<50x8x128xf32, #tpu.memory_space<vmem>>) attributes {dimension_semantics = [#tpu.dimension_semantics<core_parallel>, #tpu.dimension_semantics<subcore_parallel>], iteration_bounds = array<i64: 2, 16>, scalar_prefetch = 0 : i64, scratch_operands = 3 : i64, tpu.core_type = #tpu.core_type<sc_vector_subcore>, window_params = [{transform_indices = #map}, {transform_indices = #map1}, {transform_indices = #map2}]} {
    %mul3A = arith.constant 2 : i32
    %mul3A_0 = arith.muli %arg1, %mul3A : i32
    %add3A = arith.addi %mul3A_0, %arg0 : i32
    "tpu.region"() ({
      %run_scoped3A = tpu.sem_alloc : memref<!tpu.dma_semaphore, #tpu.memory_space<semaphore_mem>>
      tpu.enqueue_dma source(%arg3 : memref<6400xf32, #tpu.memory_space<hbm>>) target(%arg6 : memref<6400xf32, #tpu.memory_space<vmem>>) target_semaphore(%run_scoped3A : memref<!tpu.dma_semaphore, #tpu.memory_space<semaphore_mem>>)
      tpu.wait_dma2 semaphore(%run_scoped3A : memref<!tpu.dma_semaphore, #tpu.memory_space<semaphore_mem>>) src(%arg3 : memref<6400xf32, #tpu.memory_space<hbm>>) dst(%arg6 : memref<6400xf32, #tpu.memory_space<vmem>>)
      tpu.yield
    }) : () -> ()
    %iota3A = tpu.iota {dimensions = array<i32: 0>} : vector<16xi32>
    %mul3A_1 = arith.constant 0 : i32
    %mul3A_2 = vector.broadcast %mul3A_1 : i32 to vector<16xi32>
    %mul3A_3 = arith.muli %iota3A, %mul3A_2 : vector<16xi32>
    %add3A_4 = arith.constant 0 : i32
    %add3A_5 = vector.broadcast %add3A_4 : i32 to vector<16xi32>
    %add3A_6 = arith.addi %mul3A_3, %add3A_5 : vector<16xi32>
    %add3A_7 = arith.constant 1 : i32
    %add3A_8 = vector.broadcast %add3A_7 : i32 to vector<16xi32>
    %add3A_9 = arith.addi %mul3A_3, %add3A_8 : vector<16xi32>
    %add3A_10 = arith.constant 2 : i32
    %add3A_11 = vector.broadcast %add3A_10 : i32 to vector<16xi32>
    %add3A_12 = arith.addi %mul3A_3, %add3A_11 : vector<16xi32>
    %add3A_13 = arith.constant 3 : i32
    %add3A_14 = vector.broadcast %add3A_13 : i32 to vector<16xi32>
    %add3A_15 = arith.addi %mul3A_3, %add3A_14 : vector<16xi32>
    %add3A_16 = arith.constant 4 : i32
    %add3A_17 = vector.broadcast %add3A_16 : i32 to vector<16xi32>
    %add3A_18 = arith.addi %mul3A_3, %add3A_17 : vector<16xi32>
    %add3A_19 = arith.constant 5 : i32
    %add3A_20 = vector.broadcast %add3A_19 : i32 to vector<16xi32>
    %add3A_21 = arith.addi %mul3A_3, %add3A_20 : vector<16xi32>
    %add3A_22 = arith.constant 6 : i32
    %add3A_23 = vector.broadcast %add3A_22 : i32 to vector<16xi32>
    %add3A_24 = arith.addi %mul3A_3, %add3A_23 : vector<16xi32>
    %add3A_25 = arith.constant 7 : i32
    %add3A_26 = vector.broadcast %add3A_25 : i32 to vector<16xi32>
    %add3A_27 = arith.addi %mul3A_3, %add3A_26 : vector<16xi32>
    %mul3A_28 = arith.constant 512 : i32
    %mul3A_29 = arith.muli %add3A, %mul3A_28 : i32
    %scan3A = arith.constant 0 : i32
    %scan3A_30 = arith.constant 0 : i32
    %scan3A_31 = arith.constant 4 : i32
    %scan3A_32 = arith.addi %scan3A_30, %scan3A_31 : i32
    %scan3A_33 = arith.constant 1 : i32
    scf.for %scan3A_35 = %scan3A_30 to %scan3A_32 step %scan3A_33  : i32 {
      %mul3A_36 = arith.constant 128 : i32
      %mul3A_37 = arith.muli %scan3A_35, %mul3A_36 : i32
      %add3A_38 = arith.addi %mul3A_29, %mul3A_37 : i32
      "tpu.region"() ({
        %run_scoped3A = tpu.sem_alloc : memref<!tpu.dma_semaphore, #tpu.memory_space<semaphore_mem>>
        %dma_start3A = arith.constant 0 : i32
        %dma_start3A_45 = tpu.memref_slice %arg2[%dma_start3A, %add3A_38] : memref<200x16384xi32, #tpu.memory_space<hbm>> -> memref<200x128xi32, #tpu.memory_space<hbm>>
        %dma_start3A_46 = arith.constant 0 : i32
        %dma_start3A_47 = tpu.memref_slice %arg2[%dma_start3A_46, %add3A_38] : memref<200x16384xi32, #tpu.memory_space<hbm>> -> memref<200x128xi32, #tpu.memory_space<hbm>>
        tpu.enqueue_dma source(%dma_start3A_47 : memref<200x128xi32, #tpu.memory_space<hbm>>) target(%arg5 : memref<200x128xi32, #tpu.memory_space<vmem>>) target_semaphore(%run_scoped3A : memref<!tpu.dma_semaphore, #tpu.memory_space<semaphore_mem>>)
        %dma_wait3A = arith.constant 0 : i32
        %dma_wait3A_48 = tpu.memref_slice %arg2[%dma_wait3A, %add3A_38] : memref<200x16384xi32, #tpu.memory_space<hbm>> -> memref<200x128xi32, #tpu.memory_space<hbm>>
        %dma_wait3A_49 = arith.constant 0 : i32
        %dma_wait3A_50 = tpu.memref_slice %arg2[%dma_wait3A_49, %add3A_38] : memref<200x16384xi32, #tpu.memory_space<hbm>> -> memref<200x128xi32, #tpu.memory_space<hbm>>
        tpu.wait_dma2 semaphore(%run_scoped3A : memref<!tpu.dma_semaphore, #tpu.memory_space<semaphore_mem>>) src(%dma_wait3A_50 : memref<200x128xi32, #tpu.memory_space<hbm>>) dst(%arg5 : memref<200x128xi32, #tpu.memory_space<vmem>>)
        tpu.yield
      }) : () -> ()
      %scan3A_39 = arith.constant 0 : i32
      %scan3A_40 = arith.constant 0 : i32
      %scan3A_41 = arith.constant 4 : i32
      %scan3A_42 = arith.addi %scan3A_40, %scan3A_41 : i32
      %scan3A_43 = arith.constant 1 : i32
      scf.for %scan3A_45 = %scan3A_40 to %scan3A_42 step %scan3A_43  : i32 {
        %parallel_loop3A = arith.constant 0 : i32
        %parallel_loop3A_46 = arith.constant 200 : i32
        %parallel_loop3A_47 = arith.constant 1 : i32
        scf.for %parallel_loop3A_53 = %parallel_loop3A to %parallel_loop3A_46 step %parallel_loop3A_47  : i32 {
          %parallel_loop3A_54 = arith.constant 3 : i32
          %parallel_loop3A_55 = arith.shrsi %parallel_loop3A_53, %parallel_loop3A_54 : i32
          %parallel_loop3A_56 = arith.constant 7 : i32
          %parallel_loop3A_57 = arith.andi %parallel_loop3A_53, %parallel_loop3A_56 : i32
          %parallel_loop3A_58 = arith.constant 16 : i32
          %parallel_loop3A_59 = arith.muli %parallel_loop3A_57, %parallel_loop3A_58 : i32
          %parallel_loop3A_60 = vector.broadcast %parallel_loop3A_59 : i32 to vector<16xi32>
          %parallel_loop3A_61 = arith.addi %parallel_loop3A_60, %iota3A : vector<16xi32>
          %parallel_loop3A_62 = arith.constant 50 : i32
          %parallel_loop3A_63 = arith.muli %scan3A_45, %parallel_loop3A_62 : i32
          %parallel_loop3A_64 = arith.constant 2 : i32
          %parallel_loop3A_65 = arith.muli %parallel_loop3A_64, %parallel_loop3A_55 : i32
          %parallel_loop3A_66 = arith.addi %parallel_loop3A_63, %parallel_loop3A_65 : i32
          %parallel_loop3A_67 = vector.broadcast %parallel_loop3A_66 : i32 to vector<16xi32>
          %parallel_loop3A_68 = arith.addi %mul3A_3, %parallel_loop3A_67 : vector<16xi32>
          %parallel_loop3A_69 = arith.constant 1 : i32
          %parallel_loop3A_70 = vector.broadcast %parallel_loop3A_69 : i32 to vector<16xi32>
          %parallel_loop3A_71 = arith.addi %parallel_loop3A_68, %parallel_loop3A_70 : vector<16xi32>
          %parallel_loop3A_72 = tpu.vector_load_idx %arg5[%parallel_loop3A_68, %parallel_loop3A_61] : memref<200x128xi32, #tpu.memory_space<vmem>>[vector<16xi32>, vector<16xi32>], vector<16xi32>,
          %parallel_loop3A_73 = tpu.vector_load_idx %arg5[%parallel_loop3A_71, %parallel_loop3A_61] : memref<200x128xi32, #tpu.memory_space<vmem>>[vector<16xi32>, vector<16xi32>], vector<16xi32>,
          %parallel_loop3A_74 = arith.constant 20 : i32
          %parallel_loop3A_75 = vector.broadcast %parallel_loop3A_74 : i32 to vector<16xi32>
          %parallel_loop3A_76 = arith.muli %parallel_loop3A_72, %parallel_loop3A_75 : vector<16xi32>
          %parallel_loop3A_77 = arith.addi %parallel_loop3A_76, %parallel_loop3A_73 : vector<16xi32>
          %parallel_loop3A_78 = arith.constant 16 : i32
          %parallel_loop3A_79 = vector.broadcast %parallel_loop3A_78 : i32 to vector<16xi32>
          %parallel_loop3A_80 = arith.muli %parallel_loop3A_77, %parallel_loop3A_79 : vector<16xi32>
          %parallel_loop3A_81 = arith.constant 2 : i32
          %parallel_loop3A_82 = arith.muli %parallel_loop3A_81, %parallel_loop3A_55 : i32
          %parallel_loop3A_83 = vector.broadcast %parallel_loop3A_82 : i32 to vector<16xi32>
          %parallel_loop3A_84 = arith.addi %mul3A_3, %parallel_loop3A_83 : vector<16xi32>
          %parallel_loop3A_85 = arith.constant 1 : i32
          %parallel_loop3A_86 = vector.broadcast %parallel_loop3A_85 : i32 to vector<16xi32>
          %parallel_loop3A_87 = arith.addi %parallel_loop3A_84, %parallel_loop3A_86 : vector<16xi32>
          %parallel_loop3A_88 = arith.constant 0 : i32
          %parallel_loop3A_89 = vector.broadcast %parallel_loop3A_88 : i32 to vector<16xi32>
          %parallel_loop3A_90 = arith.addi %parallel_loop3A_80, %parallel_loop3A_89 : vector<16xi32>
          %parallel_loop3A_91 = tpu.vector_load_idx %arg6[%parallel_loop3A_90] : memref<6400xf32, #tpu.memory_space<vmem>>[vector<16xi32>], vector<16xf32>,
          tpu.vector_store_idx %arg7[%parallel_loop3A_84, %add3A_6, %parallel_loop3A_61], %parallel_loop3A_91 : memref<50x8x128xf32, #tpu.memory_space<vmem>>[vector<16xi32>, vector<16xi32>, vector<16xi32>], vector<16xf32>,
          %parallel_loop3A_92 = arith.constant 1 : i32
          %parallel_loop3A_93 = vector.broadcast %parallel_loop3A_92 : i32 to vector<16xi32>
          %parallel_loop3A_94 = arith.addi %parallel_loop3A_80, %parallel_loop3A_93 : vector<16xi32>
          %parallel_loop3A_95 = tpu.vector_load_idx %arg6[%parallel_loop3A_94] : memref<6400xf32, #tpu.memory_space<vmem>>[vector<16xi32>], vector<16xf32>,
          tpu.vector_store_idx %arg7[%parallel_loop3A_84, %add3A_9, %parallel_loop3A_61], %parallel_loop3A_95 : memref<50x8x128xf32, #tpu.memory_space<vmem>>[vector<16xi32>, vector<16xi32>, vector<16xi32>], vector<16xf32>,
          %parallel_loop3A_96 = arith.constant 2 : i32
          %parallel_loop3A_97 = vector.broadcast %parallel_loop3A_96 : i32 to vector<16xi32>
          %parallel_loop3A_98 = arith.addi %parallel_loop3A_80, %parallel_loop3A_97 : vector<16xi32>
          %parallel_loop3A_99 = tpu.vector_load_idx %arg6[%parallel_loop3A_98] : memref<6400xf32, #tpu.memory_space<vmem>>[vector<16xi32>], vector<16xf32>,
          tpu.vector_store_idx %arg7[%parallel_loop3A_84, %add3A_12, %parallel_loop3A_61], %parallel_loop3A_99 : memref<50x8x128xf32, #tpu.memory_space<vmem>>[vector<16xi32>, vector<16xi32>, vector<16xi32>], vector<16xf32>,
          %parallel_loop3A_100 = arith.constant 3 : i32
          %parallel_loop3A_101 = vector.broadcast %parallel_loop3A_100 : i32 to vector<16xi32>
          %parallel_loop3A_102 = arith.addi %parallel_loop3A_80, %parallel_loop3A_101 : vector<16xi32>
          %parallel_loop3A_103 = tpu.vector_load_idx %arg6[%parallel_loop3A_102] : memref<6400xf32, #tpu.memory_space<vmem>>[vector<16xi32>], vector<16xf32>,
          tpu.vector_store_idx %arg7[%parallel_loop3A_84, %add3A_15, %parallel_loop3A_61], %parallel_loop3A_103 : memref<50x8x128xf32, #tpu.memory_space<vmem>>[vector<16xi32>, vector<16xi32>, vector<16xi32>], vector<16xf32>,
          %parallel_loop3A_104 = arith.constant 4 : i32
          %parallel_loop3A_105 = vector.broadcast %parallel_loop3A_104 : i32 to vector<16xi32>
          %parallel_loop3A_106 = arith.addi %parallel_loop3A_80, %parallel_loop3A_105 : vector<16xi32>
          %parallel_loop3A_107 = tpu.vector_load_idx %arg6[%parallel_loop3A_106] : memref<6400xf32, #tpu.memory_space<vmem>>[vector<16xi32>], vector<16xf32>,
          tpu.vector_store_idx %arg7[%parallel_loop3A_84, %add3A_18, %parallel_loop3A_61], %parallel_loop3A_107 : memref<50x8x128xf32, #tpu.memory_space<vmem>>[vector<16xi32>, vector<16xi32>, vector<16xi32>], vector<16xf32>,
          %parallel_loop3A_108 = arith.constant 5 : i32
          %parallel_loop3A_109 = vector.broadcast %parallel_loop3A_108 : i32 to vector<16xi32>
          %parallel_loop3A_110 = arith.addi %parallel_loop3A_80, %parallel_loop3A_109 : vector<16xi32>
          %parallel_loop3A_111 = tpu.vector_load_idx %arg6[%parallel_loop3A_110] : memref<6400xf32, #tpu.memory_space<vmem>>[vector<16xi32>], vector<16xf32>,
          tpu.vector_store_idx %arg7[%parallel_loop3A_84, %add3A_21, %parallel_loop3A_61], %parallel_loop3A_111 : memref<50x8x128xf32, #tpu.memory_space<vmem>>[vector<16xi32>, vector<16xi32>, vector<16xi32>], vector<16xf32>,
          %parallel_loop3A_112 = arith.constant 6 : i32
          %parallel_loop3A_113 = vector.broadcast %parallel_loop3A_112 : i32 to vector<16xi32>
          %parallel_loop3A_114 = arith.addi %parallel_loop3A_80, %parallel_loop3A_113 : vector<16xi32>
          %parallel_loop3A_115 = tpu.vector_load_idx %arg6[%parallel_loop3A_114] : memref<6400xf32, #tpu.memory_space<vmem>>[vector<16xi32>], vector<16xf32>,
          tpu.vector_store_idx %arg7[%parallel_loop3A_84, %add3A_24, %parallel_loop3A_61], %parallel_loop3A_115 : memref<50x8x128xf32, #tpu.memory_space<vmem>>[vector<16xi32>, vector<16xi32>, vector<16xi32>], vector<16xf32>,
          %parallel_loop3A_116 = arith.constant 7 : i32
          %parallel_loop3A_117 = vector.broadcast %parallel_loop3A_116 : i32 to vector<16xi32>
          %parallel_loop3A_118 = arith.addi %parallel_loop3A_80, %parallel_loop3A_117 : vector<16xi32>
          %parallel_loop3A_119 = tpu.vector_load_idx %arg6[%parallel_loop3A_118] : memref<6400xf32, #tpu.memory_space<vmem>>[vector<16xi32>], vector<16xf32>,
          tpu.vector_store_idx %arg7[%parallel_loop3A_84, %add3A_27, %parallel_loop3A_61], %parallel_loop3A_119 : memref<50x8x128xf32, #tpu.memory_space<vmem>>[vector<16xi32>, vector<16xi32>, vector<16xi32>], vector<16xf32>,
          %parallel_loop3A_120 = arith.constant 8 : i32
          %parallel_loop3A_121 = vector.broadcast %parallel_loop3A_120 : i32 to vector<16xi32>
          %parallel_loop3A_122 = arith.addi %parallel_loop3A_80, %parallel_loop3A_121 : vector<16xi32>
          %parallel_loop3A_123 = tpu.vector_load_idx %arg6[%parallel_loop3A_122] : memref<6400xf32, #tpu.memory_space<vmem>>[vector<16xi32>], vector<16xf32>,
          tpu.vector_store_idx %arg7[%parallel_loop3A_87, %add3A_6, %parallel_loop3A_61], %parallel_loop3A_123 : memref<50x8x128xf32, #tpu.memory_space<vmem>>[vector<16xi32>, vector<16xi32>, vector<16xi32>], vector<16xf32>,
          %parallel_loop3A_124 = arith.constant 9 : i32
          %parallel_loop3A_125 = vector.broadcast %parallel_loop3A_124 : i32 to vector<16xi32>
          %parallel_loop3A_126 = arith.addi %parallel_loop3A_80, %parallel_loop3A_125 : vector<16xi32>
          %parallel_loop3A_127 = tpu.vector_load_idx %arg6[%parallel_loop3A_126] : memref<6400xf32, #tpu.memory_space<vmem>>[vector<16xi32>], vector<16xf32>,
          tpu.vector_store_idx %arg7[%parallel_loop3A_87, %add3A_9, %parallel_loop3A_61], %parallel_loop3A_127 : memref<50x8x128xf32, #tpu.memory_space<vmem>>[vector<16xi32>, vector<16xi32>, vector<16xi32>], vector<16xf32>,
          %parallel_loop3A_128 = arith.constant 10 : i32
          %parallel_loop3A_129 = vector.broadcast %parallel_loop3A_128 : i32 to vector<16xi32>
          %parallel_loop3A_130 = arith.addi %parallel_loop3A_80, %parallel_loop3A_129 : vector<16xi32>
          %parallel_loop3A_131 = tpu.vector_load_idx %arg6[%parallel_loop3A_130] : memref<6400xf32, #tpu.memory_space<vmem>>[vector<16xi32>], vector<16xf32>,
          tpu.vector_store_idx %arg7[%parallel_loop3A_87, %add3A_12, %parallel_loop3A_61], %parallel_loop3A_131 : memref<50x8x128xf32, #tpu.memory_space<vmem>>[vector<16xi32>, vector<16xi32>, vector<16xi32>], vector<16xf32>,
          %parallel_loop3A_132 = arith.constant 11 : i32
          %parallel_loop3A_133 = vector.broadcast %parallel_loop3A_132 : i32 to vector<16xi32>
          %parallel_loop3A_134 = arith.addi %parallel_loop3A_80, %parallel_loop3A_133 : vector<16xi32>
          %parallel_loop3A_135 = tpu.vector_load_idx %arg6[%parallel_loop3A_134] : memref<6400xf32, #tpu.memory_space<vmem>>[vector<16xi32>], vector<16xf32>,
          tpu.vector_store_idx %arg7[%parallel_loop3A_87, %add3A_15, %parallel_loop3A_61], %parallel_loop3A_135 : memref<50x8x128xf32, #tpu.memory_space<vmem>>[vector<16xi32>, vector<16xi32>, vector<16xi32>], vector<16xf32>,
          %parallel_loop3A_136 = arith.constant 12 : i32
          %parallel_loop3A_137 = vector.broadcast %parallel_loop3A_136 : i32 to vector<16xi32>
          %parallel_loop3A_138 = arith.addi %parallel_loop3A_80, %parallel_loop3A_137 : vector<16xi32>
          %parallel_loop3A_139 = tpu.vector_load_idx %arg6[%parallel_loop3A_138] : memref<6400xf32, #tpu.memory_space<vmem>>[vector<16xi32>], vector<16xf32>,
          tpu.vector_store_idx %arg7[%parallel_loop3A_87, %add3A_18, %parallel_loop3A_61], %parallel_loop3A_139 : memref<50x8x128xf32, #tpu.memory_space<vmem>>[vector<16xi32>, vector<16xi32>, vector<16xi32>], vector<16xf32>,
          %parallel_loop3A_140 = arith.constant 13 : i32
          %parallel_loop3A_141 = vector.broadcast %parallel_loop3A_140 : i32 to vector<16xi32>
          %parallel_loop3A_142 = arith.addi %parallel_loop3A_80, %parallel_loop3A_141 : vector<16xi32>
          %parallel_loop3A_143 = tpu.vector_load_idx %arg6[%parallel_loop3A_142] : memref<6400xf32, #tpu.memory_space<vmem>>[vector<16xi32>], vector<16xf32>,
          tpu.vector_store_idx %arg7[%parallel_loop3A_87, %add3A_21, %parallel_loop3A_61], %parallel_loop3A_143 : memref<50x8x128xf32, #tpu.memory_space<vmem>>[vector<16xi32>, vector<16xi32>, vector<16xi32>], vector<16xf32>,
          %parallel_loop3A_144 = arith.constant 14 : i32
          %parallel_loop3A_145 = vector.broadcast %parallel_loop3A_144 : i32 to vector<16xi32>
          %parallel_loop3A_146 = arith.addi %parallel_loop3A_80, %parallel_loop3A_145 : vector<16xi32>
          %parallel_loop3A_147 = tpu.vector_load_idx %arg6[%parallel_loop3A_146] : memref<6400xf32, #tpu.memory_space<vmem>>[vector<16xi32>], vector<16xf32>,
          tpu.vector_store_idx %arg7[%parallel_loop3A_87, %add3A_24, %parallel_loop3A_61], %parallel_loop3A_147 : memref<50x8x128xf32, #tpu.memory_space<vmem>>[vector<16xi32>, vector<16xi32>, vector<16xi32>], vector<16xf32>,
          %parallel_loop3A_148 = arith.constant 15 : i32
          %parallel_loop3A_149 = vector.broadcast %parallel_loop3A_148 : i32 to vector<16xi32>
          %parallel_loop3A_150 = arith.addi %parallel_loop3A_80, %parallel_loop3A_149 : vector<16xi32>
          %parallel_loop3A_151 = tpu.vector_load_idx %arg6[%parallel_loop3A_150] : memref<6400xf32, #tpu.memory_space<vmem>>[vector<16xi32>], vector<16xf32>,
          tpu.vector_store_idx %arg7[%parallel_loop3A_87, %add3A_27, %parallel_loop3A_61], %parallel_loop3A_151 : memref<50x8x128xf32, #tpu.memory_space<vmem>>[vector<16xi32>, vector<16xi32>, vector<16xi32>], vector<16xf32>,
        } {sc.loop_unroll_factor = 4 : i64, sc.parallel_access}
        %mul3A_48 = arith.constant 50 : i32
        %mul3A_49 = arith.muli %scan3A_45, %mul3A_48 : i32
        %mul3A_50 = arith.constant 128 : i32
        %mul3A_51 = arith.muli %scan3A_35, %mul3A_50 : i32
        %add3A_52 = arith.addi %mul3A_29, %mul3A_51 : i32
        "tpu.region"() ({
          %run_scoped3A = tpu.sem_alloc : memref<!tpu.dma_semaphore, #tpu.memory_space<semaphore_mem>>
          %dma_start3A = arith.constant 0 : i32
          %dma_start3A_53 = tpu.memref_slice %arg4[%mul3A_49, %dma_start3A, %add3A_52] : memref<200x8x16384xf32, #tpu.memory_space<hbm>> -> memref<50x8x128xf32, #tpu.memory_space<hbm>>
          %dma_start3A_54 = arith.constant 0 : i32
          %dma_start3A_55 = tpu.memref_slice %arg4[%mul3A_49, %dma_start3A_54, %add3A_52] : memref<200x8x16384xf32, #tpu.memory_space<hbm>> -> memref<50x8x128xf32, #tpu.memory_space<hbm>>
          tpu.enqueue_dma source(%arg7 : memref<50x8x128xf32, #tpu.memory_space<vmem>>) target(%dma_start3A_55 : memref<50x8x128xf32, #tpu.memory_space<hbm>>) target_semaphore(%run_scoped3A : memref<!tpu.dma_semaphore, #tpu.memory_space<semaphore_mem>>)
          %dma_wait3A = arith.constant 0 : i32
          %dma_wait3A_56 = tpu.memref_slice %arg4[%mul3A_49, %dma_wait3A, %add3A_52] : memref<200x8x16384xf32, #tpu.memory_space<hbm>> -> memref<50x8x128xf32, #tpu.memory_space<hbm>>
          %dma_wait3A_57 = arith.constant 0 : i32
          %dma_wait3A_58 = tpu.memref_slice %arg4[%mul3A_49, %dma_wait3A_57, %add3A_52] : memref<200x8x16384xf32, #tpu.memory_space<hbm>> -> memref<50x8x128xf32, #tpu.memory_space<hbm>>
          tpu.wait_dma2 semaphore(%run_scoped3A : memref<!tpu.dma_semaphore, #tpu.memory_space<semaphore_mem>>) src(%arg7 : memref<50x8x128xf32, #tpu.memory_space<vmem>>) dst(%dma_wait3A_58 : memref<50x8x128xf32, #tpu.memory_space<hbm>>)
          tpu.yield
        }) : () -> ()
      }
      %scan3A_44 = arith.constant 4 : i32
    }
    %scan3A_34 = arith.constant 4 : i32
    return
  }
}

module attributes {stable_mosaic.version = 14 : i64} {
  func.func @_pair_table_body(%arg0: memref<20x4xf32, #tpu.memory_space<vmem>>, %arg1: memref<4x8xf32, #tpu.memory_space<vmem>>, %arg2: memref<1x8xf32, #tpu.memory_space<vmem>>, %arg3: memref<20x20x16xf32, #tpu.memory_space<vmem>>) attributes {dimension_semantics = [], scalar_prefetch = 0 : i64, scratch_operands = 0 : i64, tpu.core_type = #tpu.core_type<tc>} {
    %get3A = arith.constant 0 : index
    %get3A_0 = arith.constant 0 : index
    %get3A_1 = vector.load %arg0[%get3A, %get3A_0] : memref<20x4xf32, #tpu.memory_space<vmem>>, vector<20x4xf32>
    %get3A_2 = arith.constant 0 : index
    %get3A_3 = arith.constant 0 : index
    %get3A_4 = vector.load %arg1[%get3A_2, %get3A_3] : memref<4x8xf32, #tpu.memory_space<vmem>>, vector<4x8xf32>
    %dot_general3A = arith.constant dense<0.000000e+00> : vector<20x8xf32>
    %dot_general3A_5 = tpu.matmul %get3A_1, %get3A_4, %dot_general3A {dimension_numbers = #tpu.dot_dimension_numbers<[1], [0], [0], [1], [0, 0, 1, 1], [], []>, transpose_lhs_hint = false} : vector<20x4xf32>, vector<4x8xf32>, vector<20x8xf32> -> vector<20x8xf32>
    %get3A_6 = arith.constant 0 : index
    %get3A_7 = arith.constant 0 : index
    %get3A_8 = vector.load %arg2[%get3A_6, %get3A_7] : memref<1x8xf32, #tpu.memory_space<vmem>>, vector<1x8xf32>
    %add3A = vector.broadcast %get3A_8 : vector<1x8xf32> to vector<20x8xf32>
    %add3A_9 = arith.addf %dot_general3A_5, %add3A : vector<20x8xf32>
    %broadcast_in_dim3A = vector.shape_cast %add3A_9 : vector<20x8xf32> to vector<20x1x8xf32>
    %broadcast_in_dim3A_10 = vector.shape_cast %broadcast_in_dim3A : vector<20x1x8xf32> to vector<20x1x8xf32>
    %broadcast_in_dim3A_11 = vector.broadcast %broadcast_in_dim3A_10 : vector<20x1x8xf32> to vector<20x20x8xf32>
    %broadcast_in_dim3A_12 = vector.shape_cast %add3A_9 : vector<20x8xf32> to vector<1x20x8xf32>
    %broadcast_in_dim3A_13 = vector.shape_cast %broadcast_in_dim3A_12 : vector<1x20x8xf32> to vector<1x20x8xf32>
    %broadcast_in_dim3A_14 = vector.broadcast %broadcast_in_dim3A_13 : vector<1x20x8xf32> to vector<20x20x8xf32>
    %concatenate3A = tpu.concatenate %broadcast_in_dim3A_11, %broadcast_in_dim3A_14 in 2 : vector<20x20x8xf32>, vector<20x20x8xf32> -> vector<20x20x16xf32>
    %swap3A = arith.constant 0 : index
    %swap3A_15 = arith.constant 0 : index
    %swap3A_16 = arith.constant 0 : index
    %swap3A_17 = vector.load %arg3[%swap3A, %swap3A_15, %swap3A_16] : memref<20x20x16xf32, #tpu.memory_space<vmem>>, vector<20x20x16xf32>
    tpu.vector_store %arg3[%swap3A, %swap3A_15, %swap3A_16], %concatenate3A {strides = array<i32>} : memref<20x20x16xf32, #tpu.memory_space<vmem>>, vector<20x20x16xf32>,
    return
  }
}

</mosaic_0001>

<sc_bundles>
// kernel: kernel.4.cloned.1.call-start
scs
__scs_entry_jumppad:
0x0: {  	(pc) =	sbr.rel $0x88, $3  }
0x1: {  	(tag) =	ssettag $0x0;
	lr =	simm.s32 $0x1  }
0x2: {  	[smem:$0x3F9D] =	sst lr;
	_ =	strace $0xD0000000  }
0x3: {  	_ = 	snop  }
0x4: {  	_ = 	snop  }
0x5: {  	_ = 	snop  }
0x6: {  	_ = 	snop  }
0x7: {  	_ = 	snop  }
__scs_overlays_trampoline_lowered:
0x8: {  	[smem:$0x3FAC] =	sst s0  }
0x9: {  	[smem:$0x3FAD] =	sst s1  }
0xa: {  	[smem:$0x3FAE] =	sst s2  }
0xb: {  	[smem:$0x3FAF] =	sst s3  }
0xc: {  	[smem:$0x3FB0] =	sst s4  }
0xd: {  	[smem:$0x3FB1] =	sst s5  }
0xe: {  	[smem:$0x3FB2] =	sst s6  }
0xf: {  	[smem:$0x3FB3] =	sst s7  }
0x10: {  	[smem:$0x3FB4] =	sst s8  }
0x11: {  	[smem:$0x3FB5] =	sst s9;
	s0 =	simm.s32 @!p0 $0x0  }
0x12: {  	s1 =	sld [smem:$0x3F9B];
	s0 =	simm.s32 @p0 $0x1  }
0x13: {  	[smem:$0x3FB6] =	sst s0;
	s0 =	simm.s32 @!p1 $0x0  }
0x14: {  	s2 =	sld [smem:$0x3F9A];
	s0 =	simm.s32 @p1 $0x1  }
0x15: {  	[smem:$0x3FB7] =	sst s0;
	s0 =	simm.s32 @!p2 $0x0  }
0x16: {  	s3 =	sld [smem:$0x3FDB];
	s0 =	simm.s32 @p2 $0x1  }
0x17: {  	s4 =	simm.s32 $0x1BF5;
	[smem:$0x3FB9] =	sst s0  }
0x18: {  	s0 =	sld [smem:$0x3F9C];
	_ =	swait.ge [sflag:s4], $0x0  }
0x19: {  	s7 =	sld [smem:$0x3F9D]  }
0x1a: {  	s8 =	sadd.s32 $0xFFFFE003, lr  }
0x1b: {  	s9 =	sadd.s32 $0xFFFFFEF7, lr;
	s5 =	simm.s32 $0xFFFFFFFF;
	p2 =	slt.u32 s8, $0xFFFFF086  }
0x1c: {  	p1 =	slt.u32 s9, $0xF7A;
	s5 =	simm.s32 @!p2 $0x0  }
0x1d: {  	s5 =	simm.s32 @p1 $0x1;
	p0 =	seq.s32 s7, s2  }
0x1e: {  	s7 =	smul.u32 @!p0 $0xF7A, s2;
	p2 =	seq.s32 @!p0 s5, $0x0  }
0x1f: {  	s9 =	smul.u32 $0xF7A, s1;
	s8 =	simm.s32 @!p0 $0x1BF5;
	p2 =	por !p2, p0  }
0x20: {  	[sflag:s8] =	ssyncset.s32 @!p0 $0xFFFFF086;
	s6 =	sadd.s32 @!p0 s3, s7;
	s7 =	simm.s32 @!p0 $0x108  }
0x21: {  	s3 =	sadd.s32 s3, s9;
	s6 =	sadd.s32 @!p0 $0x88, s6;
	s7 =	simm.s32 @p2 $0x1082  }
0x22: {  	[simem:s7], [sflag:s8] =	dma.local @!p0 [hbm:s6], $0xF7A  }
0x23: {  	s9 =	sor.u32 $0xD0000000, s2;
	s6 =	simm.s32 $0x108;
	_ =	swait.ge @!p0 [sflag:s8], $0x0  }
0x24: {  	s3 =	sadd.s32 $0x88, s3;
	s6 =	simm.s32 @!p1 $0x1082;
	[sflag:s4] =	ssyncset.s32 $0xFFFFF086  }
0x25: {  	[simem:s6], [sflag:s4] =	dma.local [hbm:s3], $0xF7A  }
0x26: {  	[smem:$0x3F9D] =	sst s1;
	(tag) =	ssettag s2;
	_ =	strace s9  }
0x27: {  	s1 =	sld [smem:$0x3FAD]  }
0x28: {  	s2 =	sld [smem:$0x3FAE]  }
0x29: {  	s4 =	sld [smem:$0x3FB0]  }
0x2a: {  	p0 =	seq.s32 s5, $0x0;
	s5 =	sld [smem:$0x3FB1]  }
0x2b: {  	s6 =	sld [smem:$0x3FB2]  }
0x2c: {  	s7 =	sld [smem:$0x3FB3]  }
0x2d: {  	s3 =	simm.s32 $0x108;
	s8 =	sld [smem:$0x3FB4]  }
0x2e: {  	s3 =	simm.s32 @!p0 $0x1082;
	s9 =	sld [smem:$0x3FB5]  }
0x2f: {  	lr =	sadd.s32 s0, s3;
	s0 =	sld [smem:$0x3FAC]  }
0x30: {  	s3 =	sld [smem:$0x3FAF]  }
0x31: {  	[smem:$0x3FB8] =	sst s10  }
0x32: {  	s10 =	sld [smem:$0x3FB6];
	_ =	sdelay $0x3  }
0x33: {  	p0 =	seq.s32 s10, $0x1;
	s10 =	sld [smem:$0x3FB8];
	_ =	sdelay $0x3  }
0x34: {  	[smem:$0x3FB8] =	sst s10  }
0x35: {  	s10 =	sld [smem:$0x3FB7];
	_ =	sdelay $0x3  }
0x36: {  	p1 =	seq.s32 s10, $0x1;
	s10 =	sld [smem:$0x3FB8];
	_ =	sdelay $0x3  }
0x37: {  	[smem:$0x3FB8] =	sst s10  }
0x38: {  	s10 =	sld [smem:$0x3FB9]  }
0x39: {  	_ = 	snop;
	(pc) =	sbr.ind lr, $3  }
0x3a: {  	_ = 	snop  }
0x3b: {  	_ = 	snop  }
0x3c: {  	p2 =	seq.s32 s10, $0x1;
	s10 =	sld [smem:$0x3FB8]  }
0x3d: {  	_ =	shalt  }
0x3e: {  	_ =	shalt  }
0x3f: {  	_ =	shalt  }
0x40: {  	_ =	shalt  }
0x41: {  	_ =	shalt  }
0x42: {  	_ =	shalt  }
0x43: {  	_ =	shalt  }
0x44: {  	_ =	shalt  }
0x45: {  	_ =	shalt  }
0x46: {  	_ =	shalt  }
0x47: {  	_ =	shalt  }
0x48: {  	_ =	shalt  }
0x49: {  	_ =	shalt  }
0x4a: {  	_ =	shalt  }
0x4b: {  	_ =	shalt  }
0x4c: {  	_ =	shalt  }
0x4d: {  	_ =	shalt  }
0x4e: {  	_ =	shalt  }
0x4f: {  	_ =	shalt  }
0x50: {  	_ =	shalt  }
0x51: {  	_ =	shalt  }
0x52: {  	_ =	shalt  }
0x53: {  	_ =	shalt  }
0x54: {  	_ =	shalt  }
0x55: {  	_ =	shalt  }
0x56: {  	_ =	shalt  }
0x57: {  	_ =	shalt  }
0x58: {  	_ =	shalt  }
0x59: {  	_ =	shalt  }
0x5a: {  	_ =	shalt  }
0x5b: {  	_ =	shalt  }
0x5c: {  	_ =	shalt  }
0x5d: {  	_ =	shalt  }
0x5e: {  	_ =	shalt  }
0x5f: {  	_ =	shalt  }
0x60: {  	_ =	shalt  }
0x61: {  	_ =	shalt  }
0x62: {  	_ =	shalt  }
0x63: {  	_ =	shalt  }
0x64: {  	_ =	shalt  }
0x65: {  	_ =	shalt  }
0x66: {  	_ =	shalt  }
0x67: {  	_ =	shalt  }
0x68: {  	_ =	shalt  }
0x69: {  	_ =	shalt  }
0x6a: {  	_ =	shalt  }
0x6b: {  	_ =	shalt  }
0x6c: {  	_ =	shalt  }
0x6d: {  	_ =	shalt  }
0x6e: {  	_ =	shalt  }
0x6f: {  	_ =	shalt  }
0x70: {  	_ =	shalt  }
0x71: {  	_ =	shalt  }
0x72: {  	_ =	shalt  }
0x73: {  	_ =	shalt  }
0x74: {  	_ =	shalt  }
0x75: {  	_ =	shalt  }
0x76: {  	_ =	shalt  }
0x77: {  	_ =	shalt  }
0x78: {  	_ =	shalt  }
0x79: {  	_ =	shalt  }
0x7a: {  	_ =	shalt  }
0x7b: {  	_ =	shalt  }
0x7c: {  	_ =	shalt  }
0x7d: {  	_ =	shalt  }
0x7e: {  	_ =	shalt  }
0x7f: {  	_ =	shalt  }
0x80: {  	_ =	shalt  }
0x81: {  	_ =	shalt  }
0x82: {  	_ =	shalt  }
0x83: {  	_ =	shalt  }
0x84: {  	_ =	shalt  }
0x85: {  	_ =	shalt  }
0x86: {  	_ =	shalt  }
0x87: {  	_ =	shalt  }
.Lfunc_end0:
.L_simem_size_0:
called_computation_lowered:
.L_overlay_start_0:
0x88: {  	s2 =	sld [smem:$0x3FD9]  }
0x89: {  	s3 =	sld [smem:$0x3FFE];
	_ =	sdelay $0x1  }
0x8a: {  	s1 =	srdreg.scid  }
0x8b: {  	s0 =	sand.u32 $0x1, s1  }
0x8c: {  	s17 =	sshll.u32 s0, $0xA;
	s2 =	sadd.s32 s3, s2  }
0x8d: {  	s2 =	sadd.s32 s2, s17  }
0x8e: {  	[smem:$0x3FC4] =	sst s2  }
0x8f: {  	_ = 	snop  }
0x90: {  	s2 =	sld [smem:$0x3FC9]  }
0x91: {  	s18 =	sld [smem:$0x3FD0];
	(tm) =	ssettm $0x1  }
0x92: {  	s4 =	sld [smem:$0x3FFB];
	_ =	sdelay $0x3  }
0x93: {  	_ =	strace s4  }
0x94: {  	s4 =	sld [smem:$0x3FFC];
	_ =	sdelay $0x3  }
0x95: {  	_ =	strace s4  }
0x96: {  	s4 =	sld [smem:$0x3FFD];
	_ =	sdelay $0x3  }
0x97: {  	_ =	strace s4  }
0x98: {  	_ =	strace $0x8FFFFFFF  }
0x99: {  	s19 =	sld [smem:$0x3FDB];
	_ =	sdelay $0x1  }
0x9a: {  	s5 =	simm.s32 $_scs_section_size  }
0x9b: {  	s6 =	simm.s32 $_size__tile_overlayer_lowered;
	s7 =	simm.s32 $_tile_overlayer_lowered  }
0x9c: {  	s22 =	simm.s32 $0x1BFF;
	s21 =	sshll.u32 s7, $0x1;
	s4 =	sadd.s32 s5, s19  }
0x9d: {  	s8 =	simm.s32 $0x0;
	s20 =	sshll.u32 s6, $0x1;
	s6 =	sadd.s32 s21, s4  }
0x9e: {  	[timem:s8], [sflag:s22] =	dma.local [hbm:s6], s20  }
0x9f: {  	_ =	swait.ge [sflag:s22], s20  }
0xa0: {  	s5 =	ssub.s32 $0x0, s20;
	[sflag:s22] =	ssyncset.done $0x0  }
0xa1: {  	[sflag:s22] =	ssyncadd.s32 s5;
	_ =	sdelay $0x1  }
0xa2: {  	s23 =	simm.s32 $0x1B8B  }
0xa3: {  	_ =	swait.ge [sflag:s23], $0x1  }
0xa4: {  	[sflag:s23] =	ssyncset.done $0x0  }
0xa5: {  	s25 =	simm.s32 $0x1B8E;
	s24 =	sld [smem:$0x3FFE];
	[sflag:s23] =	ssyncadd.s32 $0xFFFFFFFF  }
0xa6: {  	s26 =	simm.s32 $execute0_lowered;
	[smem:$0x3FD2] =	sst s25  }
0xa7: {  	s6 =	sshll.u32 s26, $0x1;
	_ =	strace $0x80000046;
	[dreg:$0x1] =	wrdreg $0xFFFFFFFF  }
0xa8: {  	s28 =	simm.s32 $_size_execute0_lowered;
	s4 =	sadd.s32 s4, s6;
	[dreg:$0x0] =	wrdreg $0x0  }
0xa9: {  	s6 =	sshll.u32 s28, $0x1;
	[dreg:$0x2] =	wrdreg s4  }
0xaa: {  	[dreg:$0x3] =	wrdreg s6  }
0xab: {  	[dreg:$0x4] =	wrdreg $0xC0  }
0xac: {  	_ =	task [dreg:s8], $0x5FFFF  }
0xad: {  	[dreg:$0x1] =	wrdreg $0xFFFFFFFF  }
0xae: {  	[dreg:$0x0] =	wrdreg $0x60  }
0xaf: {  	[dreg:$0x2] =	wrdreg s2  }
0xb0: {  	[dreg:$0x3] =	wrdreg s24  }
0xb1: {  	[dreg:$0x4] =	wrdreg s18  }
0xb2: {  	[dreg:$0x5] =	wrdreg $0x9  }
0xb3: {  	_ =	task.clear_ibuf [dreg:s8], $0x6FFFF;
	_ =	strace $0x90000046  }
0xb4: {  	s29 =	simm.s32 $0x9;
	_ =	strace $0x80000048  }
0xb5: {  	_ =	swait.ge [sflag:s29], $0x1  }
0xb6: {  	[sflag:s29] =	ssyncadd.s32 $0xFFFFFFFF  }
0xb7: {  	_ =	strace $0x90000048  }
0xb8: {  	_ =	sfence  }
0xb9: {  	s30 =	sld [smem:$0x0];
	_ =	sdelay $0x2  }
0xba: {  	s31 =	sshll.u32 s1, $0xD;
	s1 =	sshrl.u32 s1, $0x2  }
0xbb: {  	s3 =	sand.u32 $0x4000, s31;
	s1 =	sadd.s32 s1, s30  }
0xbc: {  	s0 =	sor.u32 s3, s0;
	s1 =	sshll.u32 s1, $0x11  }
0xbd: {  	s0 =	sor.u32 s1, s0  }
0xbe: {  	s0 =	sadd.s32 $0x8F2B, s0  }
0xbf: {  	[sflag:s0] =	ssyncadd.remote.s32 $0x1  }
0xc0: {  	_ =	sfence.sel $0xFFFF  }
0xc1: {  	[dreg:$0x0] =	wrdreg $0xFFFFFFFF;
	(pc) =	sbr.abs _section_cstart, $3  }
0xc2: {  	[dreg:$0x1] =	wrdreg $0xFFFFFFFF  }
0xc3: {  	_ =	task.clear_ibuf [dreg:s8], $0x2FFFF;
	_ =	strace $0x9FFFFFFF  }
0xc4: {  	(tm) =	ssettm $0x7FFFFFFF  }
0xc5: {  	_ =	shalt  }
tec
execute0_lowered:
.L_overlay_start_1:
0x0: {  	(tag) =	ssettag $0x1  }
0x1: {  	s1 =	rddreg [dreg:$0x0]  }
0x2: {  	s5 =	rddreg [dreg:$0x1]  }
0x3: {  	s2 =	rddreg [dreg:$0x2]  }
0x4: {  	s4 =	srdreg.scid;
	s0 =	rddreg [dreg:$0x3];
	s3 =	simm.s32 $0x0  }
0x5: {  	s9 =	simm.s32 $0x1;
	s10 =	simm.s32 $0x400;
	s11 =	simm.s32 $0x20000  }
0x6: {  	s12 =	simm.s32 $0x7D00;
	s13 =	simm.s32 $0x0;
	s6 =	sand.u32 $0x1, s4  }
0x7: {  	[smem:$0x7FF] =	sst s3;
	s4 =	stileid.u32;
	s7 =	ssub.s32 $0x2, s6  }
0x8: {  	s5 =	sadd.s32 $0x800, s5;
	_ =	strace $0x80000047;
	s8 =	sshrl.u32 s7, $0x1  }
0x9: {  	s31 =	sshll.u32 s4, $0x3;
	s6 =	sshll.u32 s6, $0x2;
	s7 =	ssub.s32 s7, s8  }
0xa: {  	v46 =	vlaneseq.u32;
	s6 =	sor.u32 s6, s31;
	s8 =	simm.s32 $0x6400;
	s7 =	smax.u32 s7, $0x1  }
.LBB2_1:
0xb: {  	[tilespmem:s8], [sflag:$0x1] =	stream.linear.gather [hbm4b:s5+s3], $0x1900, $0x38;
	[tilespmem:$0x14500] =	vst v63  }
0xc: {  	_ =	swait.ge [sflag:s9], $0x1900  }
0xd: {  	[sflag:s9] =	ssyncset.done $0x0  }
0xe: {  	s14 =	simm.s32 $0x0;
	[sflag:s9] =	ssyncadd.s32 $0xFFFFE700  }
.LBB2_2:
0xf: {  	s16 =	sadd.s32 s6, s14  }
0x10: {  	s15 =	sshll.u32 s16, $0x7  }
0x11: {  	s17 =	sadd.s32 s1, s15;
	s15 =	simm.s32 $0x0  }
0x12: {  	[tilespmem:s15], [sflag:$0x1] =	stream.strided.gather [hbm4b:s17+s10], $0x6400, s11, s10, $0x38;
	[tilespmem:$0x14500] =	vst v63  }
0x13: {  	_ =	swait.ge [sflag:s9], $0x6400  }
0x14: {  	[sflag:s9] =	ssyncset.done $0x0  }
0x15: {  	s16 =	sshll.u32 s16, $0xA;
	s17 =	simm.s32 $0x0;
	[sflag:s9] =	ssyncadd.s32 $0xFFFF9C00  }
.LBB2_3:
0x16: {  	s18 =	smul.u32 $0x32, s17  }
0x17: {  	s19 =	sand.u32 $0x3E, s15  }
0x18: {  	s20 =	sadd.s32 s18, s19  }
0x19: {  	v0 =	vmov s20  }
0x1a: {  	s25 =	sand.u32 $0x40, s15;
	v0 =	vshll.u32 v0, $0x7  }
0x1b: {  	s21 =	sor.u32 $0x10, s25;
	v0 =	vbroadcast v0, $0x0  }
0x1c: {  	v10 =	vor.u32 s21, v46  }
0x1d: {  	v1 =	vor.u32 v10, v0  }
0x1e: {  	v2 =	vor.u32 $0x80, v0  }
0x1f: {  	s26 =	sor.u32 $0x20, s25;
	v3 =	vor.u32 v10, v2  }
0x20: {  	s22 =	sor.u32 $0x30, s25;
	v12 =	vor.u32 s26, v46  }
0x21: {  	v7 =	vor.u32 s22, v46;
	v4 =	vor.u32 v12, v0  }
0x22: {  	v5 =	vor.u32 v7, v0;
	v1 =	vld.idx.msk [tilespmem:v1+s3+$0x0], $0xffff  }
0x23: {  	v6 =	vor.u32 v12, v2  }
0x24: {  	v8 =	vor.u32 v7, v2;
	v3 =	vld.idx.msk [tilespmem:v3+s3+$0x0], $0xffff;
	_ =	sdelay $0x1  }
0x25: {  	v4 =	vld.idx.msk [tilespmem:v4+s3+$0x0], $0xffff  }
0x26: {  	v5 =	vld.idx.msk [tilespmem:v5+s3+$0x0], $0xffff;
	v1 =	vmul.u32 $0x14, v1  }
0x27: {  	v21 =	vor.u32 s25, v46;
	v6 =	vld.idx.msk [tilespmem:v6+s3+$0x0], $0xffff  }
0x28: {  	v0 =	vor.u32 v21, v0;
	v8 =	vld.idx.msk [tilespmem:v8+s3+$0x0], $0xffff;
	v1 =	vadd.s32 v3, v1  }
0x29: {  	v1 =	vshll.u32 v1, $0x4  }
0x2a: {  	v4 =	vmul.u32 $0x14, v4;
	v3 =	vmov s19  }
0x2b: {  	v2 =	vor.u32 v21, v2;
	v9 =	vmul.u32 $0x14, v5;
	v3 =	vshll.u32 v3, $0xA  }
0x2c: {  	v4 =	vadd.s32 v6, v4;
	v5 =	vbroadcast v3, $0x0  }
0x2d: {  	v0 =	vld.idx.msk [tilespmem:v0+s3+$0x0], $0xffff;
	v3 =	vshll.u32 v4, $0x4;
	v4 =	vadd.s32 v8, v9  }
0x2e: {  	v4 =	vshll.u32 v4, $0x4;
	v8 =	vor.u32 v5, v10;
	v6 =	vld.idx.msk [tilespmem:v1+s8+$0x0], $0xffff  }
0x2f: {  	v9 =	vor.u32 $0x1, v1  }
0x30: {  	v2 =	vld.idx.msk [tilespmem:v2+s3+$0x0], $0xffff;
	_ =	sdelay $0x1  }
0x31: {  	v0 =	vmul.u32 $0x14, v0;
	v11 =	vor.u32 v5, v12;
	v13 =	vld.idx.msk [tilespmem:v3+s8+$0x0], $0xffff  }
0x32: {  	v14 =	vor.u32 v5, v7;
	v15 =	vld.idx.msk [tilespmem:v4+s8+$0x0], $0xffff;
	[tilespmem:v8+s12+$0x0] =	vst.idx.msk $0xffff, v6;
	v6 =	vor.u32 $0x1, v3;
	v8 =	vor.u32 $0x80, v5  }
0x33: {  	v16 =	vor.u32 $0x1, v4;
	v9 =	vld.idx.msk [tilespmem:v9+s8+$0x0], $0xffff;
	v17 =	vor.u32 v10, v8  }
0x34: {  	v0 =	vadd.s32 v2, v0;
	v18 =	vor.u32 $0x2, v1  }
0x35: {  	v2 =	vshll.u32 v0, $0x4  }
0x36: {  	[tilespmem:v11+s12+$0x0] =	vst.idx.msk $0xffff, v13  }
0x37: {  	v0 =	vor.u32 v12, v8;
	[tilespmem:v14+s12+$0x0] =	vst.idx.msk $0xffff, v15;
	v6 =	vld.idx.msk [tilespmem:v6+s8+$0x0], $0xffff  }
0x38: {  	v11 =	vor.u32 $0x100, v5;
	v13 =	vor.u32 v7, v8;
	v14 =	vld.idx.msk [tilespmem:v16+s8+$0x0], $0xffff;
	[tilespmem:v17+s12+$0x0] =	vst.idx.msk $0xffff, v9;
	v9 =	vor.u32 $0x2, v3  }
0x39: {  	v15 =	vor.u32 v10, v11;
	v17 =	vor.u32 $0x2, v4;
	v16 =	vld.idx.msk [tilespmem:v18+s8+$0x0], $0xffff  }
0x3a: {  	v20 =	vor.u32 $0x3, v1;
	v19 =	vld.idx.msk [tilespmem:v2+s8+$0x0], $0xffff;
	v18 =	vor.u32 v21, v5  }
0x3b: {  	v22 =	vor.u32 $0x1, v2  }
0x3c: {  	[tilespmem:v0+s12+$0x0] =	vst.idx.msk $0xffff, v6  }
0x3d: {  	[tilespmem:v13+s12+$0x0] =	vst.idx.msk $0xffff, v14;
	v0 =	vor.u32 v12, v11;
	v6 =	vld.idx.msk [tilespmem:v9+s8+$0x0], $0xffff  }
0x3e: {  	v13 =	vor.u32 $0x3, v3;
	v9 =	vor.u32 v7, v11;
	v14 =	vld.idx.msk [tilespmem:v17+s8+$0x0], $0xffff;
	[tilespmem:v15+s12+$0x0] =	vst.idx.msk $0xffff, v16;
	v15 =	vor.u32 $0x180, v5  }
0x3f: {  	v17 =	vor.u32 $0x3, v4;
	[tilespmem:v18+s12+$0x0] =	vst.idx.msk $0xffff, v19;
	v16 =	vld.idx.msk [tilespmem:v20+s8+$0x0], $0xffff;
	v18 =	vor.u32 v10, v15  }
0x40: {  	v8 =	vor.u32 v21, v8;
	v19 =	vld.idx.msk [tilespmem:v22+s8+$0x0], $0xffff;
	v20 =	vor.u32 $0x4, v1  }
0x41: {  	v22 =	vor.u32 $0x2, v2  }
0x42: {  	[tilespmem:v0+s12+$0x0] =	vst.idx.msk $0xffff, v6  }
0x43: {  	v0 =	vor.u32 v21, v11;
	v6 =	vor.u32 v12, v15;
	[tilespmem:v9+s12+$0x0] =	vst.idx.msk $0xffff, v14;
	v11 =	vld.idx.msk [tilespmem:v13+s8+$0x0], $0xffff  }
0x44: {  	v9 =	vor.u32 $0x200, v5;
	v14 =	vor.u32 $0x4, v3;
	v13 =	vor.u32 v7, v15;
	v17 =	vld.idx.msk [tilespmem:v17+s8+$0x0], $0xffff;
	[tilespmem:v18+s12+$0x0] =	vst.idx.msk $0xffff, v16  }
0x45: {  	v16 =	vor.u32 v10, v9;
	[tilespmem:v8+s12+$0x0] =	vst.idx.msk $0xffff, v19;
	v19 =	vor.u32 $0x4, v4;
	v8 =	vld.idx.msk [tilespmem:v20+s8+$0x0], $0xffff  }
0x46: {  	v24 =	vor.u32 $0x5, v1;
	v22 =	vld.idx.msk [tilespmem:v22+s8+$0x0], $0xffff  }
0x47: {  	v27 =	vor.u32 $0x3, v2;
	v28 =	vor.u32 $0x300, v5  }
0x48: {  	v37 =	vor.u32 v21, v28;
	v25 =	vor.u32 v7, v9;
	[tilespmem:v6+s12+$0x0] =	vst.idx.msk $0xffff, v11  }
0x49: {  	v20 =	vor.u32 v21, v9;
	v9 =	vor.u32 v12, v9;
	[tilespmem:v13+s12+$0x0] =	vst.idx.msk $0xffff, v17;
	v14 =	vld.idx.msk [tilespmem:v14+s8+$0x0], $0xffff  }
0x4a: {  	v30 =	vor.u32 $0x5, v3;
	v15 =	vor.u32 v21, v15;
	v18 =	vor.u32 $0x280, v5;
	v19 =	vld.idx.msk [tilespmem:v19+s8+$0x0], $0xffff;
	[tilespmem:v16+s12+$0x0] =	vst.idx.msk $0xffff, v8  }
0x4b: {  	v34 =	vor.u32 $0x6, v1;
	v23 =	vor.u32 v10, v18;
	[tilespmem:v0+s12+$0x0] =	vst.idx.msk $0xffff, v22;
	v22 =	vor.u32 $0x5, v4;
	v0 =	vld.idx.msk [tilespmem:v24+s8+$0x0], $0xffff  }
0x4c: {  	v26 =	vor.u32 v7, v18;
	v6 =	vor.u32 v10, v28;
	v11 =	vor.u32 v7, v28;
	v24 =	vld.idx.msk [tilespmem:v27+s8+$0x0], $0xffff  }
0x4d: {  	s28 =	simm.s32 $0x1;
	v13 =	vor.u32 $0x380, v5;
	v17 =	vor.u32 v12, v28;
	v28 =	vor.u32 $0x4, v2  }
0x4e: {  	s29 =	sand.u32 $0x3E, s28;
	v29 =	vor.u32 v12, v18;
	v38 =	vor.u32 v7, v13;
	[tilespmem:v9+s12+$0x0] =	vst.idx.msk $0xffff, v14  }
0x4f: {  	s19 =	sadd.s32 s18, s29;
	v39 =	vor.u32 v10, v13;
	v41 =	vor.u32 v12, v13;
	[tilespmem:v25+s12+$0x0] =	vst.idx.msk $0xffff, v19;
	v9 =	vld.idx.msk [tilespmem:v30+s8+$0x0], $0xffff  }
0x50: {  	v32 =	vor.u32 v21, v13;
	v13 =	vor.u32 $0x6, v3;
	v14 =	vld.idx.msk [tilespmem:v22+s8+$0x0], $0xffff;
	[tilespmem:v23+s12+$0x0] =	vst.idx.msk $0xffff, v0;
	v0 =	vmov s19  }
0x51: {  	v42 =	vor.u32 v21, v18;
	v18 =	vor.u32 $0x6, v4;
	[tilespmem:v15+s12+$0x0] =	vst.idx.msk $0xffff, v24;
	s19 =	simm.s32 $0x40;
	v15 =	vld.idx.msk [tilespmem:v34+s8+$0x0], $0xffff;
	v0 =	vshll.u32 v0, $0x7  }
0x52: {  	v22 =	vor.u32 $0x7, v1;
	v19 =	vld.idx.msk [tilespmem:v28+s8+$0x0], $0xffff;
	s30 =	sand.u32 $0x40, s19;
	v0 =	vbroadcast v0, $0x0  }
0x53: {  	v23 =	vor.u32 $0x5, v2;
	s31 =	sor.u32 $0x10, s30;
	v51 =	vor.u32 s30, v46  }
0x54: {  	s23 =	sor.u32 $0x20, s30;
	v52 =	vor.u32 s31, v46;
	[tilespmem:v29+s12+$0x0] =	vst.idx.msk $0xffff, v9;
	v9 =	vor.u32 v51, v0  }
0x55: {  	v59 =	vor.u32 s23, v46;
	[tilespmem:v26+s12+$0x0] =	vst.idx.msk $0xffff, v14;
	v14 =	vor.u32 v52, v0;
	v13 =	vld.idx.msk [tilespmem:v13+s8+$0x0], $0xffff  }
0x56: {  	v18 =	vld.idx.msk [tilespmem:v18+s8+$0x0], $0xffff;
	[tilespmem:v6+s12+$0x0] =	vst.idx.msk $0xffff, v15;
	v6 =	vor.u32 $0x80, v0;
	v15 =	vor.u32 v59, v0  }
0x57: {  	s21 =	sor.u32 $0x30, s30;
	[tilespmem:v20+s12+$0x0] =	vst.idx.msk $0xffff, v19;
	v19 =	vld.idx.msk [tilespmem:v22+s8+$0x0], $0xffff;
	v20 =	vor.u32 v59, v6  }
0x58: {  	v54 =	vor.u32 s21, v46;
	v22 =	vor.u32 v52, v6;
	v46 =	vld.idx.msk [tilespmem:v23+s8+$0x0], $0xffff  }
0x59: {  	v61 =	vor.u32 v54, v0;
	v9 =	vld.idx.msk [tilespmem:v9+s3+$0x0], $0xffff  }
0x5a: {  	v45 =	vor.u32 $0x600, v5;
	v47 =	vor.u32 v51, v6;
	v48 =	vld.idx.msk [tilespmem:v14+s3+$0x0], $0xffff  }
0x5b: {  	v40 =	vor.u32 $0x480, v5;
	v14 =	vor.u32 v10, v45;
	v15 =	vld.idx.msk [tilespmem:v15+s3+$0x0], $0xffff  }
0x5c: {  	v50 =	vor.u32 $0x7, v4;
	v49 =	vor.u32 v54, v6;
	v20 =	vld.idx.msk [tilespmem:v20+s3+$0x0], $0xffff;
	[tilespmem:$0x1FEF0] =	vst v14;
	v14 =	vor.u32 v21, v45  }
0x5d: {  	v56 =	vor.u32 $0x700, v5;
	v33 =	vor.u32 v7, v40;
	v35 =	vor.u32 v12, v40;
	v62 =	vld.idx.msk [tilespmem:v22+s3+$0x0], $0xffff;
	[tilespmem:$0x1FF00] =	vst v14  }
0x5e: {  	v36 =	vor.u32 v10, v40;
	v30 =	vor.u32 v21, v40;
	v14 =	vor.u32 v12, v56;
	v40 =	vld.idx.msk [tilespmem:v61+s3+$0x0], $0xffff  }
0x5f: {  	v55 =	vor.u32 $0x8, v1;
	v25 =	vor.u32 v7, v45;
	v47 =	vld.idx.msk [tilespmem:v47+s3+$0x0], $0xffff;
	[tilespmem:$0x1FF10] =	vst v14  }
0x60: {  	v23 =	vor.u32 v12, v45;
	v45 =	vor.u32 $0x680, v5;
	[tilespmem:v11+s12+$0x0] =	vst.idx.msk $0xffff, v18;
	v11 =	vor.u32 v7, v56  }
0x61: {  	v63 =	vor.u32 $0x6, v2;
	v53 =	vor.u32 $0x7, v3;
	v49 =	vld.idx.msk [tilespmem:v49+s3+$0x0], $0xffff;
	[tilespmem:$0x1FF20] =	vst v11;
	v11 =	vor.u32 v10, v45  }
0x62: {  	v31 =	vor.u32 $0x400, v5;
	v44 =	vor.u32 $0x580, v5;
	v60 =	vor.u32 $0x8, v4;
	[tilespmem:$0x1FF30] =	vst v11  }
0x63: {  	v43 =	vor.u32 v10, v31;
	v16 =	vor.u32 v7, v31;
	v8 =	vor.u32 v12, v31;
	v11 =	vld.idx.msk [tilespmem:v50+s8+$0x0], $0xffff  }
0x64: {  	v27 =	vor.u32 v21, v31;
	v24 =	vor.u32 $0x500, v5;
	v48 =	vmul.u32 $0x14, v48  }
0x65: {  	v31 =	vor.u32 v12, v24;
	v26 =	vor.u32 v12, v44;
	v5 =	vor.u32 $0x780, v5;
	[tilespmem:v17+s12+$0x0] =	vst.idx.msk $0xffff, v13  }
0x66: {  	v9 =	vmul.u32 $0x14, v9;
	v13 =	vmul.u32 $0x14, v15;
	v15 =	vadd.s32 v62, v48;
	[tilespmem:v39+s12+$0x0] =	vst.idx.msk $0xffff, v19;
	v61 =	vld.idx.msk [tilespmem:v53+s8+$0x0], $0xffff  }
0x67: {  	v62 =	vor.u32 $0x8, v3;
	[tilespmem:v42+s12+$0x0] =	vst.idx.msk $0xffff, v46;
	v18 =	vshll.u32 v15, $0x4;
	v15 =	vmul.u32 $0x14, v40  }
0x68: {  	v17 =	vmov s29;
	v34 =	vld.idx.msk [tilespmem:v55+s8+$0x0], $0xffff;
	v13 =	vadd.s32 v20, v13;
	[tilespmem:v38+s12+$0x0] =	vst.idx.msk $0xffff, v11;
	v11 =	vor.u32 v21, v45  }
0x69: {  	v9 =	vadd.s32 v47, v9;
	v19 =	vshll.u32 v13, $0x4;
	v13 =	vld.idx.msk [tilespmem:v63+s8+$0x0], $0xffff;
	[tilespmem:$0x1FF40] =	vst v11;
	v11 =	vor.u32 v21, v56  }
0x6a: {  	v20 =	vshll.u32 v17, $0xA;
	v17 =	vshll.u32 v9, $0x4;
	v9 =	vadd.s32 v49, v15;
	[tilespmem:$0x1FF50] =	vst v11  }
0x6b: {  	v14 =	vor.u32 v10, v56;
	v55 =	vbroadcast v20, $0x0;
	v20 =	vshll.u32 v9, $0x4;
	v9 =	vld.idx.msk [tilespmem:v60+s8+$0x0], $0xffff;
	[tilespmem:v41+s12+$0x0] =	vst.idx.msk $0xffff, v61  }
0x6c: {  	v22 =	vor.u32 v12, v45;
	v12 =	vor.u32 v12, v5;
	v11 =	vld.idx.msk [tilespmem:v18+s8+$0x0], $0xffff;
	[tilespmem:$0x1FF60] =	vst v14  }
0x6d: {  	v58 =	vor.u32 v7, v24;
	v63 =	vor.u32 v55, v52;
	[tilespmem:$0x1FF70] =	vst v12  }
0x6e: {  	v28 =	vor.u32 v7, v44;
	v48 =	vor.u32 $0x7, v2;
	v39 =	vld.idx.msk [tilespmem:v62+s8+$0x0], $0xffff;
	[tilespmem:v43+s12+$0x0] =	vst.idx.msk $0xffff, v34  }
0x6f: {  	v57 =	vor.u32 v7, v45;
	v7 =	vor.u32 v7, v5;
	v50 =	vld.idx.msk [tilespmem:v19+s8+$0x0], $0xffff;
	[tilespmem:v37+s12+$0x0] =	vst.idx.msk $0xffff, v13  }
0x70: {  	v12 =	vor.u32 $0x9, v4;
	v34 =	vor.u32 v55, v59;
	v60 =	vld.idx.msk [tilespmem:v17+s8+$0x0], $0xffff;
	[tilespmem:v16+s12+$0x0] =	vst.idx.msk $0xffff, v9  }
0x71: {  	v29 =	vor.u32 v10, v24;
	v49 =	vor.u32 $0x1, v18;
	v62 =	vld.idx.msk [tilespmem:v20+s8+$0x0], $0xffff;
	[tilespmem:$0x1FF80] =	vst v7  }
0x72: {  	v53 =	vor.u32 $0x9, v3;
	v56 =	vor.u32 v51, v55;
	[tilespmem:v63+s12+$0x0] =	vst.idx.msk $0xffff, v11;
	v11 =	vor.u32 v21, v5  }
0x73: {  	v24 =	vor.u32 v21, v24;
	v61 =	vor.u32 v55, v54;
	v13 =	vor.u32 $0x9, v1;
	v9 =	vld.idx.msk [tilespmem:v48+s8+$0x0], $0xffff;
	[tilespmem:$0x1FF90] =	vst v11  }
0x74: {  	v0 =	vor.u32 v21, v44;
	v6 =	vor.u32 v10, v44;
	v7 =	vor.u32 $0x1, v17;
	[tilespmem:v8+s12+$0x0] =	vst.idx.msk $0xffff, v39  }
0x75: {  	v21 =	vor.u32 $0x80, v55;
	v5 =	vor.u32 v10, v5;
	v10 =	vor.u32 $0x1, v20;
	v12 =	vld.idx.msk [tilespmem:v12+s8+$0x0], $0xffff;
	[tilespmem:v34+s12+$0x0] =	vst.idx.msk $0xffff, v50  }
0x76: {  	v11 =	vor.u32 $0x1, v19;
	v48 =	vor.u32 v52, v21;
	v63 =	vld.idx.msk [tilespmem:v49+s8+$0x0], $0xffff;
	[tilespmem:$0x1FFA0] =	vst v5  }
0x77: {  	v8 =	vor.u32 $0x8, v2;
	v49 =	vld.idx.msk [tilespmem:v53+s8+$0x0], $0xffff;
	[tilespmem:v56+s12+$0x0] =	vst.idx.msk $0xffff, v60  }
0x78: {  	v50 =	vor.u32 $0xA, v4;
	v13 =	vld.idx.msk [tilespmem:v13+s8+$0x0], $0xffff;
	[tilespmem:v61+s12+$0x0] =	vst.idx.msk $0xffff, v62  }
0x79: {  	v5 =	vor.u32 $0xA, v3;
	v56 =	vor.u32 $0x2, v18;
	v60 =	vor.u32 v51, v21;
	v7 =	vld.idx.msk [tilespmem:v7+s8+$0x0], $0xffff;
	[tilespmem:v32+s12+$0x0] =	vst.idx.msk $0xffff, v9  }
0x7a: {  	v61 =	vor.u32 v59, v21;
	v21 =	vor.u32 v54, v21;
	v10 =	vld.idx.msk [tilespmem:v10+s8+$0x0], $0xffff;
	[tilespmem:v33+s12+$0x0] =	vst.idx.msk $0xffff, v12  }
0x7b: {  	v62 =	vor.u32 $0x2, v17;
	v11 =	vld.idx.msk [tilespmem:v11+s8+$0x0], $0xffff;
	[tilespmem:v48+s12+$0x0] =	vst.idx.msk $0xffff, v63  }
0x7c: {  	v53 =	vor.u32 $0x100, v55;
	v8 =	vld.idx.msk [tilespmem:v8+s8+$0x0], $0xffff;
	v48 =	vor.u32 $0x2, v19;
	[tilespmem:v35+s12+$0x0] =	vst.idx.msk $0xffff, v49  }
0x7d: {  	v37 =	vor.u32 v51, v53;
	v12 =	vor.u32 $0xA, v1;
	v50 =	vld.idx.msk [tilespmem:v50+s8+$0x0], $0xffff;
	[tilespmem:v36+s12+$0x0] =	vst.idx.msk $0xffff, v13  }
0x7e: {  	v9 =	vor.u32 v52, v53;
	v49 =	vor.u32 $0x9, v2;
	v43 =	vld.idx.msk [tilespmem:v56+s8+$0x0], $0xffff;
	[tilespmem:v60+s12+$0x0] =	vst.idx.msk $0xffff, v7  }
0x7f: {  	v40 =	vor.u32 v54, v53;
	v60 =	vor.u32 $0x2, v20;
	v5 =	vld.idx.msk [tilespmem:v5+s8+$0x0], $0xffff;
	[tilespmem:v21+s12+$0x0] =	vst.idx.msk $0xffff, v10  }
0x80: {  	v33 =	vor.u32 v59, v53;
	v63 =	vor.u32 $0x200, v55;
	[tilespmem:v61+s12+$0x0] =	vst.idx.msk $0xffff, v11;
	v61 =	vor.u32 $0xB, v4;
	v44 =	vld.idx.msk [tilespmem:v62+s8+$0x0], $0xffff  }
0x81: {  	v53 =	vor.u32 v51, v63;
	v21 =	vor.u32 $0xB, v3;
	[tilespmem:v27+s12+$0x0] =	vst.idx.msk $0xffff, v8;
	v27 =	vld.idx.msk [tilespmem:v48+s8+$0x0], $0xffff  }
0x82: {  	v13 =	vor.u32 v52, v63;
	v8 =	vor.u32 $0x3, v18;
	v12 =	vld.idx.msk [tilespmem:v12+s8+$0x0], $0xffff;
	[tilespmem:v58+s12+$0x0] =	vst.idx.msk $0xffff, v50  }
0x83: {  	v10 =	vor.u32 v59, v63;
	v7 =	vor.u32 $0x3, v19;
	v62 =	vld.idx.msk [tilespmem:v49+s8+$0x0], $0xffff;
	[tilespmem:v9+s12+$0x0] =	vst.idx.msk $0xffff, v43  }
0x84: {  	v11 =	vor.u32 v54, v63;
	v63 =	vor.u32 $0x3, v17;
	v49 =	vld.idx.msk [tilespmem:v60+s8+$0x0], $0xffff;
	[tilespmem:v31+s12+$0x0] =	vst.idx.msk $0xffff, v5  }
0x85: {  	v5 =	vor.u32 $0xA, v2;
	v31 =	vld.idx.msk [tilespmem:v61+s8+$0x0], $0xffff;
	[tilespmem:v37+s12+$0x0] =	vst.idx.msk $0xffff, v44  }
0x86: {  	v58 =	vor.u32 $0x180, v55;
	v60 =	vor.u32 $0x3, v20;
	v21 =	vld.idx.msk [tilespmem:v21+s8+$0x0], $0xffff;
	[tilespmem:v33+s12+$0x0] =	vst.idx.msk $0xffff, v27  }
0x87: {  	v14 =	vor.u32 $0xC, v4;
	v61 =	vor.u32 v52, v58;
	v8 =	vld.idx.msk [tilespmem:v8+s8+$0x0], $0xffff;
	[tilespmem:v29+s12+$0x0] =	vst.idx.msk $0xffff, v12  }
0x88: {  	v9 =	vor.u32 $0x300, v55;
	v12 =	vor.u32 v59, v58;
	v7 =	vld.idx.msk [tilespmem:v7+s8+$0x0], $0xffff;
	[tilespmem:v30+s12+$0x0] =	vst.idx.msk $0xffff, v62;
	v30 =	vor.u32 $0x4, v18  }
0x89: {  	v50 =	vor.u32 v52, v9;
	v27 =	vld.idx.msk [tilespmem:v63+s8+$0x0], $0xffff;
	v62 =	vor.u32 v51, v58;
	[tilespmem:v40+s12+$0x0] =	vst.idx.msk $0xffff, v49  }
0x8a: {  	v43 =	vor.u32 v54, v9;
	v47 =	vor.u32 v59, v9;
	v5 =	vld.idx.msk [tilespmem:v5+s8+$0x0], $0xffff;
	[tilespmem:v28+s12+$0x0] =	vst.idx.msk $0xffff, v31  }
0x8b: {  	v29 =	vor.u32 $0xC, v3;
	v28 =	vor.u32 v54, v58;
	v32 =	vld.idx.msk [tilespmem:v60+s8+$0x0], $0xffff;
	[tilespmem:v26+s12+$0x0] =	vst.idx.msk $0xffff, v21  }
0x8c: {  	v39 =	vor.u32 v51, v9;
	v9 =	vor.u32 $0xB, v1;
	[tilespmem:v61+s12+$0x0] =	vst.idx.msk $0xffff, v8;
	v14 =	vld.idx.msk [tilespmem:v14+s8+$0x0], $0xffff  }
0x8d: {  	v46 =	vor.u32 $0x380, v55;
	v63 =	vor.u32 $0x4, v17;
	[tilespmem:v12+s12+$0x0] =	vst.idx.msk $0xffff, v7;
	v21 =	vld.idx.msk [tilespmem:v30+s8+$0x0], $0xffff  }
0x8e: {  	v45 =	vor.u32 v52, v46;
	v31 =	vor.u32 $0x4, v19;
	[tilespmem:v62+s12+$0x0] =	vst.idx.msk $0xffff, v27  }
0x8f: {  	v42 =	vor.u32 v59, v46;
	v38 =	vor.u32 v51, v46;
	[tilespmem:v24+s12+$0x0] =	vst.idx.msk $0xffff, v5  }
0x90: {  	v41 =	vor.u32 v54, v46;
	v35 =	vor.u32 $0x280, v55;
	v27 =	vld.idx.msk [tilespmem:v29+s8+$0x0], $0xffff;
	[tilespmem:v28+s12+$0x0] =	vst.idx.msk $0xffff, v32  }
0x91: {  	v56 =	vor.u32 v52, v35;
	v9 =	vld.idx.msk [tilespmem:v9+s8+$0x0], $0xffff;
	v26 =	vor.u32 $0x4, v20;
	v8 =	vor.u32 $0x400, v55;
	[tilespmem:v25+s12+$0x0] =	vst.idx.msk $0xffff, v14  }
0x92: {  	v7 =	vor.u32 v51, v8;
	v30 =	vld.idx.msk [tilespmem:v63+s8+$0x0], $0xffff;
	v5 =	vor.u32 $0x480, v55;
	[tilespmem:v13+s12+$0x0] =	vst.idx.msk $0xffff, v21  }
0x93: {  	v34 =	vor.u32 v54, v35;
	v60 =	vld.idx.msk [tilespmem:v31+s8+$0x0], $0xffff;
	[tilespmem:$0x1FFB0] =	vst v7;
	v7 =	vor.u32 v59, v5  }
0x94: {  	v15 =	vor.u32 v59, v35;
	v29 =	vor.u32 $0xB, v2;
	v28 =	vor.u32 $0x500, v55;
	[tilespmem:$0x1FFC0] =	vst v7  }
0x95: {  	v37 =	vor.u32 v54, v8;
	v24 =	vor.u32 $0x5, v18;
	v7 =	vor.u32 v54, v28;
	[tilespmem:v23+s12+$0x0] =	vst.idx.msk $0xffff, v27  }
0x96: {  	v36 =	vor.u32 v59, v8;
	v46 =	vor.u32 v52, v8;
	v8 =	vld.idx.msk [tilespmem:v26+s8+$0x0], $0xffff;
	[tilespmem:$0x1FFD0] =	vst v7  }
0x97: {  	v48 =	vor.u32 v51, v35;
	v61 =	vor.u32 $0xD, v3;
	v7 =	vor.u32 v59, v28;
	[tilespmem:v53+s12+$0x0] =	vst.idx.msk $0xffff, v30  }
0x98: {  	v35 =	vor.u32 v54, v5;
	v40 =	vor.u32 v52, v5;
	v5 =	vor.u32 v51, v5;
	[tilespmem:$0x1FFE0] =	vst v7  }
0x99: {  	v49 =	vor.u32 $0x700, v55;
	v58 =	vor.u32 $0xC, v1;
	v12 =	vor.u32 $0xD, v4;
	v13 =	vld.idx.msk [tilespmem:v29+s8+$0x0], $0xffff;
	[tilespmem:$0x1FFF0] =	vst v5  }
0x9a: {  	v62 =	vor.u32 $0x580, v55;
	v63 =	vor.u32 v54, v49;
	v31 =	vor.u32 v52, v28;
	v5 =	vld.idx.msk [tilespmem:v24+s8+$0x0], $0xffff  }
0x9b: {  	v33 =	vor.u32 v51, v28;
	v25 =	vor.u32 v52, v62;
	[tilespmem:v6+s12+$0x0] =	vst.idx.msk $0xffff, v9;
	v9 =	vor.u32 $0x5, v19  }
0x9c: {  	v26 =	vor.u32 v51, v62;
	v30 =	vor.u32 v54, v62;
	[tilespmem:v10+s12+$0x0] =	vst.idx.msk $0xffff, v60;
	v10 =	vor.u32 $0x600, v55  }
0x9d: {  	v21 =	vld.idx.msk [tilespmem:v61+s8+$0x0], $0xffff;
	[tilespmem:v11+s12+$0x0] =	vst.idx.msk $0xffff, v8;
	v8 =	vor.u32 $0x5, v20;
	v28 =	vor.u32 v59, v10  }
0x9e: {  	v44 =	vor.u32 $0xC, v2;
	v32 =	vor.u32 v54, v10;
	v6 =	vor.u32 v52, v10;
	[tilespmem:v0+s12+$0x0] =	vst.idx.msk $0xffff, v13  }
0x9f: {  	v16 =	vor.u32 $0xE, v4;
	v13 =	vor.u32 $0xE, v3;
	[tilespmem:v56+s12+$0x0] =	vst.idx.msk $0xffff, v5;
	v5 =	vor.u32 v51, v10;
	v10 =	vld.idx.msk [tilespmem:v12+s8+$0x0], $0xffff  }
0xa0: {  	v7 =	vor.u32 $0x780, v55;
	v29 =	vor.u32 v59, v62;
	v12 =	vor.u32 $0x6, v18;
	v14 =	vld.idx.msk [tilespmem:v9+s8+$0x0], $0xffff  }
0xa1: {  	v60 =	vor.u32 v54, v7;
	v0 =	vor.u32 $0x680, v55;
	v55 =	vor.u32 v51, v7;
	v9 =	vld.idx.msk [tilespmem:v58+s8+$0x0], $0xffff  }
0xa2: {  	[tilespmem:v22+s12+$0x0] =	vst.idx.msk $0xffff, v21;
	v23 =	vor.u32 v59, v0;
	v24 =	vor.u32 v54, v0;
	v11 =	vld.idx.msk [tilespmem:v8+s8+$0x0], $0xffff  }
0xa3: {  	v62 =	vor.u32 v52, v0;
	v61 =	vor.u32 v51, v0;
	v0 =	vor.u32 v59, v49;
	v53 =	vld.idx.msk [tilespmem:v44+s8+$0x0], $0xffff  }
0xa4: {  	v56 =	vor.u32 v51, v49;
	v58 =	vor.u32 v52, v49;
	v59 =	vor.u32 v59, v7;
	v8 =	vld.idx.msk [tilespmem:v13+s8+$0x0], $0xffff  }
0xa5: {  	v51 =	vor.u32 $0x7, v18;
	v13 =	vor.u32 $0x6, v20;
	v54 =	vld.idx.msk [tilespmem:v12+s8+$0x0], $0xffff;
	[tilespmem:v57+s12+$0x0] =	vst.idx.msk $0xffff, v10;
	v57 =	vor.u32 v52, v7  }
0xa6: {  	s20 =	simm.s32 $0x4;
	s21 =	simm.s32 $0x2;
	v12 =	vor.u32 $0x6, v19;
	v10 =	vor.u32 $0xD, v1;
	[tilespmem:v15+s12+$0x0] =	vst.idx.msk $0xffff, v14;
	v52 =	vor.u32 $0xD, v2;
	v7 =	vld.idx.msk [tilespmem:v16+s8+$0x0], $0xffff  }
.LBB2_4:
0xa7: {  	v14 =	vld [tilespmem:$0x1FEF0];
	_ =	sdelay $0x7  }
0xa8: {  	[tilespmem:v14+s12+$0x0] =	vst.idx.msk $0xffff, v9;
	v14 =	vld [tilespmem:$0x1FF00];
	_ =	sdelay $0x1  }
0xa9: {  	v9 =	vmov v6  }
0xaa: {  	v49 =	vor.u32 $0xF, v1;
	[tilespmem:$0x1FEF0] =	vst v9;
	v9 =	vld.idx.msk [tilespmem:v10+s8+$0x0], $0xffff;
	v10 =	vor.u32 $0xF, v4;
	v4 =	vmov v20  }
0xab: {  	v20 =	vor.u32 $0xF, v3;
	v3 =	vmovc v19;
	v19 =	vor.u32 $0xE, v1;
	v1 =	vmovc v18;
	v18 =	vor.u32 $0x5, v17  }
0xac: {  	v15 =	vld [tilespmem:$0x1FF10];
	_ =	sdelay $0x2  }
0xad: {  	[tilespmem:v14+s12+$0x0] =	vst.idx.msk $0xffff, v53  }
0xae: {  	v44 =	vld.idx.msk [tilespmem:v18+s8+$0x0], $0xffff  }
0xaf: {  	s22 =	sand.u32 $0x3E, s21;
	v18 =	vld [tilespmem:$0x1FF40]  }
0xb0: {  	s23 =	sadd.s32 s18, s22  }
0xb1: {  	v12 =	vld.idx.msk [tilespmem:v12+s8+$0x0], $0xffff;
	[tilespmem:v34+s12+$0x0] =	vst.idx.msk $0xffff, v11;
	v11 =	vmov s23  }
0xb2: {  	[tilespmem:v15+s12+$0x0] =	vst.idx.msk $0xffff, v8;
	v14 =	vmov v5;
	v5 =	vshll.u32 v11, $0x7;
	v11 =	vld.idx.msk [tilespmem:v52+s8+$0x0], $0xffff  }
0xb3: {  	v8 =	vmov v0;
	v0 =	vld [tilespmem:$0x1FF20];
	[tilespmem:$0x1FF00] =	vst v14;
	v14 =	vor.u32 $0xE, v2;
	_ =	sdelay $0x3  }
0xb4: {  	[tilespmem:v18+s12+$0x0] =	vst.idx.msk $0xffff, v11  }
0xb5: {  	v11 =	vld.idx.msk [tilespmem:v14+s8+$0x0], $0xffff  }
0xb6: {  	v14 =	vld [tilespmem:$0x1FF80]  }
0xb7: {  	v16 =	vld [tilespmem:$0x1FF30]  }
0xb8: {  	v13 =	vld.idx.msk [tilespmem:v13+s8+$0x0], $0xffff;
	[tilespmem:v0+s12+$0x0] =	vst.idx.msk $0xffff, v7  }
0xb9: {  	v10 =	vld.idx.msk [tilespmem:v10+s8+$0x0], $0xffff;
	_ =	sdelay $0x2  }
0xba: {  	s19 =	sadd.s32 $0x40, s19  }
0xbb: {  	s30 =	sand.u32 $0x40, s19  }
0xbc: {  	v21 =	vlaneseq.u32;
	s24 =	sor.u32 $0x20, s30;
	v5 =	vbroadcast v5, $0x0;
	[tilespmem:v14+s12+$0x0] =	vst.idx.msk $0xffff, v10;
	v14 =	vld [tilespmem:$0x1FF70]  }
0xbd: {  	[tilespmem:v50+s12+$0x0] =	vst.idx.msk $0xffff, v54;
	v53 =	vor.u32 s24, v21  }
0xbe: {  	v50 =	vld.idx.msk [tilespmem:v51+s8+$0x0], $0xffff;
	[tilespmem:v16+s12+$0x0] =	vst.idx.msk $0xffff, v9;
	v16 =	vor.u32 v53, v5  }
0xbf: {  	s31 =	sor.u32 $0x10, s30;
	s25 =	sor.u32 $0x30, s30;
	[tilespmem:$0x1FF10] =	vst v8;
	v9 =	vld.idx.msk [tilespmem:v20+s8+$0x0], $0xffff  }
0xc0: {  	v54 =	vor.u32 s25, v21;
	v51 =	vor.u32 s31, v21;
	[tilespmem:v47+s12+$0x0] =	vst.idx.msk $0xffff, v12;
	v0 =	vmovc v63;
	v52 =	vor.u32 s30, v21  }
0xc1: {  	[tilespmem:$0x1FF20] =	vst v0;
	v0 =	vor.u32 v52, v5;
	v7 =	vor.u32 $0x80, v5;
	v8 =	vor.u32 v51, v5  }
0xc2: {  	v5 =	vor.u32 v54, v5;
	v34 =	vor.u32 v51, v7;
	v15 =	vor.u32 v53, v7;
	v10 =	vmovc v60  }
0xc3: {  	v20 =	vor.u32 v52, v7;
	v7 =	vor.u32 v54, v7;
	[tilespmem:$0x1FF80] =	vst v10;
	v10 =	vld.idx.msk [tilespmem:v16+s3+$0x0], $0xffff  }
0xc4: {  	v16 =	vor.u32 $0x7, v4;
	[tilespmem:v14+s12+$0x0] =	vst.idx.msk $0xffff, v9;
	v14 =	vld [tilespmem:$0x1FF60]  }
0xc5: {  	v12 =	vmov v61;
	v19 =	vld.idx.msk [tilespmem:v19+s8+$0x0], $0xffff  }
0xc6: {  	[tilespmem:$0x1FF40] =	vst v12;
	v12 =	vor.u32 $0xF, v2;
	v2 =	vmov v17;
	v17 =	vld [tilespmem:$0x1FF50]  }
0xc7: {  	v5 =	vld.idx.msk [tilespmem:v5+s3+$0x0], $0xffff  }
0xc8: {  	v7 =	vld.idx.msk [tilespmem:v7+s3+$0x0], $0xffff;
	[tilespmem:v43+s12+$0x0] =	vst.idx.msk $0xffff, v13;
	v13 =	vor.u32 $0xC, v1  }
0xc9: {  	[tilespmem:$0x1FE90] =	vst v13;
	v13 =	vld.idx.msk [tilespmem:v16+s8+$0x0], $0xffff  }
0xca: {  	v16 =	vld [tilespmem:$0x1FFA0]  }
0xcb: {  	[tilespmem:v45+s12+$0x0] =	vst.idx.msk $0xffff, v50  }
0xcc: {  	v8 =	vld.idx.msk [tilespmem:v8+s3+$0x0], $0xffff;
	[tilespmem:v14+s12+$0x0] =	vst.idx.msk $0xffff, v19;
	v14 =	vmov v58  }
0xcd: {  	[tilespmem:$0x1FF60] =	vst v14;
	v14 =	vld.idx.msk [tilespmem:v49+s8+$0x0], $0xffff  }
0xce: {  	v0 =	vld.idx.msk [tilespmem:v0+s3+$0x0], $0xffff  }
0xcf: {  	[tilespmem:v17+s12+$0x0] =	vst.idx.msk $0xffff, v11;
	v11 =	vmov v56  }
0xd0: {  	[tilespmem:$0x1FF50] =	vst v11;
	v9 =	vmov v59  }
0xd1: {  	[tilespmem:$0x1FF70] =	vst v9;
	v9 =	vld.idx.msk [tilespmem:v15+s3+$0x0], $0xffff  }
0xd2: {  	v11 =	vor.u32 $0x7, v3;
	v15 =	vld.idx.msk [tilespmem:v34+s3+$0x0], $0xffff;
	[tilespmem:v16+s12+$0x0] =	vst.idx.msk $0xffff, v14;
	v14 =	vmov v57  }
0xd3: {  	[tilespmem:$0x1FFA0] =	vst v14;
	v14 =	vmul.u32 $0x14, v0;
	v0 =	vld [tilespmem:$0x1FF90];
	_ =	sdelay $0x1  }
0xd4: {  	v12 =	vld.idx.msk [tilespmem:v12+s8+$0x0], $0xffff  }
0xd5: {  	v19 =	vld.idx.msk [tilespmem:v20+s3+$0x0], $0xffff  }
0xd6: {  	v8 =	vmul.u32 $0x14, v8;
	v17 =	vor.u32 $0x8, v1;
	v10 =	vmul.u32 $0x14, v10;
	v11 =	vld.idx.msk [tilespmem:v11+s8+$0x0], $0xffff  }
0xd7: {  	v16 =	vor.u32 $0x8, v4  }
0xd8: {  	v9 =	vadd.s32 v9, v10;
	v10 =	vor.u32 $0x6, v2;
	v8 =	vadd.s32 v15, v8  }
0xd9: {  	[tilespmem:v41+s12+$0x0] =	vst.idx.msk $0xffff, v13;
	v18 =	vshll.u32 v8, $0x4;
	v8 =	vmul.u32 $0x14, v5  }
0xda: {  	v6 =	vmov s22;
	[tilespmem:v0+s12+$0x0] =	vst.idx.msk $0xffff, v12;
	v12 =	vadd.s32 v19, v14;
	v14 =	vor.u32 $0x8, v3  }
0xdb: {  	v6 =	vshll.u32 v6, $0xA;
	[tilespmem:v42+s12+$0x0] =	vst.idx.msk $0xffff, v11;
	v15 =	vld.idx.msk [tilespmem:v17+s8+$0x0], $0xffff;
	v7 =	vadd.s32 v7, v8;
	v19 =	vshll.u32 v9, $0x4  }
0xdc: {  	v20 =	vshll.u32 v7, $0x4;
	v11 =	vld.idx.msk [tilespmem:v16+s8+$0x0], $0xffff;
	v0 =	vmov v55;
	v55 =	vbroadcast v6, $0x0;
	[tilespmem:v48+s12+$0x0] =	vst.idx.msk $0xffff, v44  }
0xdd: {  	v17 =	vshll.u32 v12, $0x4;
	v7 =	vld.idx.msk [tilespmem:v10+s8+$0x0], $0xffff  }
0xde: {  	[tilespmem:$0x1FEA0] =	vst v26;
	v13 =	vor.u32 $0x7, v2;
	v12 =	vld.idx.msk [tilespmem:v18+s8+$0x0], $0xffff;
	v43 =	vor.u32 v55, v51  }
0xdf: {  	[tilespmem:$0x1FEB0] =	vst v23;
	v16 =	vor.u32 $0x9, v4;
	v14 =	vld.idx.msk [tilespmem:v14+s8+$0x0], $0xffff  }
0xe0: {  	[tilespmem:v46+s12+$0x0] =	vst.idx.msk $0xffff, v15;
	v44 =	vor.u32 v55, v53;
	v47 =	vld.idx.msk [tilespmem:v19+s8+$0x0], $0xffff  }
0xe1: {  	v34 =	vld.idx.msk [tilespmem:v20+s8+$0x0], $0xffff;
	v46 =	vor.u32 $0x1, v18;
	[tilespmem:v37+s12+$0x0] =	vst.idx.msk $0xffff, v11  }
0xe2: {  	v48 =	vor.u32 v55, v54;
	v49 =	vld.idx.msk [tilespmem:v17+s8+$0x0], $0xffff;
	[tilespmem:v39+s12+$0x0] =	vst.idx.msk $0xffff, v7  }
0xe3: {  	v15 =	vor.u32 $0x9, v3;
	v41 =	vor.u32 v52, v55;
	[tilespmem:v43+s12+$0x0] =	vst.idx.msk $0xffff, v12;
	v7 =	vld.idx.msk [tilespmem:v13+s8+$0x0], $0xffff  }
0xe4: {  	v57 =	vor.u32 $0x1, v17;
	v13 =	vld.idx.msk [tilespmem:v16+s8+$0x0], $0xffff;
	[tilespmem:v36+s12+$0x0] =	vst.idx.msk $0xffff, v14  }
0xe5: {  	v12 =	vor.u32 $0x1, v19;
	[tilespmem:v44+s12+$0x0] =	vst.idx.msk $0xffff, v47;
	v47 =	vld [tilespmem:$0x1FFC0]  }
0xe6: {  	[tilespmem:$0x1FEC0] =	vst v24;
	v8 =	vor.u32 $0x9, v1;
	v16 =	vor.u32 $0x80, v55;
	v37 =	vld.idx.msk [tilespmem:v46+s8+$0x0], $0xffff  }
0xe7: {  	v21 =	vmovc v62;
	v6 =	vor.u32 $0x8, v2;
	v45 =	vor.u32 $0x100, v55;
	[tilespmem:v48+s12+$0x0] =	vst.idx.msk $0xffff, v34;
	v48 =	vld [tilespmem:$0x1FFB0];
	v14 =	vor.u32 v51, v16  }
0xe8: {  	v23 =	vor.u32 $0x1, v20;
	v9 =	vor.u32 $0xA, v3;
	v62 =	vor.u32 v52, v45;
	[tilespmem:v41+s12+$0x0] =	vst.idx.msk $0xffff, v49;
	v15 =	vld.idx.msk [tilespmem:v15+s8+$0x0], $0xffff  }
0xe9: {  	v63 =	vor.u32 v51, v45;
	v22 =	vor.u32 v53, v45;
	v24 =	vor.u32 v54, v45;
	v45 =	vld.idx.msk [tilespmem:v57+s8+$0x0], $0xffff  }
0xea: {  	v39 =	vor.u32 v53, v16;
	v46 =	vor.u32 v54, v16;
	v12 =	vld.idx.msk [tilespmem:v12+s8+$0x0], $0xffff;
	[tilespmem:v38+s12+$0x0] =	vst.idx.msk $0xffff, v7  }
0xeb: {  	v16 =	vor.u32 v52, v16;
	v49 =	vor.u32 $0x2, v18;
	v44 =	vld.idx.msk [tilespmem:v8+s8+$0x0], $0xffff;
	[tilespmem:v35+s12+$0x0] =	vst.idx.msk $0xffff, v13  }
0xec: {  	v38 =	vor.u32 $0x2, v17;
	v6 =	vld.idx.msk [tilespmem:v6+s8+$0x0], $0xffff;
	[tilespmem:v14+s12+$0x0] =	vst.idx.msk $0xffff, v37  }
0xed: {  	v10 =	vor.u32 $0xA, v4;
	v14 =	vld.idx.msk [tilespmem:v23+s8+$0x0], $0xffff;
	[tilespmem:v47+s12+$0x0] =	vst.idx.msk $0xffff, v15  }
0xee: {  	[tilespmem:$0x1FF30] =	vst v21;
	v9 =	vld.idx.msk [tilespmem:v9+s8+$0x0], $0xffff  }
0xef: {  	[tilespmem:v39+s12+$0x0] =	vst.idx.msk $0xffff, v12;
	v39 =	vld [tilespmem:$0x1FFD0]  }
0xf0: {  	v11 =	vor.u32 $0x380, v55;
	v35 =	vld.idx.msk [tilespmem:v49+s8+$0x0], $0xffff;
	[tilespmem:v16+s12+$0x0] =	vst.idx.msk $0xffff, v45  }
0xf1: {  	v23 =	vor.u32 $0x9, v2;
	[tilespmem:v40+s12+$0x0] =	vst.idx.msk $0xffff, v44;
	v40 =	vld.idx.msk [tilespmem:v38+s8+$0x0], $0xffff;
	v15 =	vor.u32 v54, v11  }
0xf2: {  	v10 =	vld.idx.msk [tilespmem:v10+s8+$0x0], $0xffff;
	[tilespmem:$0x1FEE0] =	vst v15;
	v15 =	vor.u32 $0x2, v20  }
0xf3: {  	[tilespmem:v48+s12+$0x0] =	vst.idx.msk $0xffff, v6  }
0xf4: {  	[tilespmem:v46+s12+$0x0] =	vst.idx.msk $0xffff, v14  }
0xf5: {  	v5 =	vor.u32 $0xA, v1;
	[tilespmem:v63+s12+$0x0] =	vst.idx.msk $0xffff, v35  }
0xf6: {  	v56 =	vmov v25;
	v25 =	vor.u32 $0x400, v55;
	v14 =	vld.idx.msk [tilespmem:v23+s8+$0x0], $0xffff;
	[tilespmem:v62+s12+$0x0] =	vst.idx.msk $0xffff, v40  }
0xf7: {  	v26 =	vor.u32 $0x480, v55;
	v15 =	vld.idx.msk [tilespmem:v15+s8+$0x0], $0xffff;
	[tilespmem:v39+s12+$0x0] =	vst.idx.msk $0xffff, v10;
	v10 =	vor.u32 v52, v25  }
0xf8: {  	v40 =	vld [tilespmem:$0x1FFF0];
	[tilespmem:$0x1FFB0] =	vst v10;
	v10 =	vor.u32 v53, v26  }
0xf9: {  	v21 =	vor.u32 $0x280, v55;
	v13 =	vor.u32 $0x2, v19;
	[tilespmem:$0x1FFC0] =	vst v10;
	v10 =	vld [tilespmem:$0x1FFE0]  }
0xfa: {  	v34 =	vor.u32 v54, v21;
	v57 =	vor.u32 v51, v21;
	v12 =	vor.u32 $0x3, v18;
	v5 =	vld.idx.msk [tilespmem:v5+s8+$0x0], $0xffff  }
0xfb: {  	v7 =	vor.u32 v53, v21;
	v48 =	vor.u32 v52, v21;
	v21 =	vor.u32 $0x3, v17  }
0xfc: {  	v50 =	vor.u32 $0x200, v55;
	v16 =	vor.u32 $0xB, v4  }
0xfd: {  	[tilespmem:$0x1FF90] =	vst v0;
	v42 =	vor.u32 $0x300, v55;
	v61 =	vor.u32 v51, v50  }
0xfe: {  	v59 =	vor.u32 v52, v50;
	v60 =	vor.u32 v54, v50;
	v43 =	vor.u32 v54, v42;
	v13 =	vld.idx.msk [tilespmem:v13+s8+$0x0], $0xffff  }
0xff: {  	v36 =	vor.u32 v52, v11;
	v6 =	vor.u32 $0xB, v3;
	v12 =	vld.idx.msk [tilespmem:v12+s8+$0x0], $0xffff;
	[tilespmem:v31+s12+$0x0] =	vst.idx.msk $0xffff, v5  }
0x100: {  	v27 =	vor.u32 $0x500, v55;
	v41 =	vor.u32 v54, v25;
	v23 =	vor.u32 $0x3, v19;
	v21 =	vld.idx.msk [tilespmem:v21+s8+$0x0], $0xffff;
	[tilespmem:v40+s12+$0x0] =	vst.idx.msk $0xffff, v14  }
0x101: {  	v44 =	vor.u32 v53, v25;
	v38 =	vor.u32 $0xA, v2;
	[tilespmem:v10+s12+$0x0] =	vst.idx.msk $0xffff, v9;
	v9 =	vld.idx.msk [tilespmem:v16+s8+$0x0], $0xffff;
	v16 =	vor.u32 $0x3, v20  }
0x102: {  	v46 =	vor.u32 v51, v25;
	v10 =	vor.u32 $0x180, v55;
	[tilespmem:v24+s12+$0x0] =	vst.idx.msk $0xffff, v15;
	v15 =	vor.u32 v54, v27  }
0x103: {  	v0 =	vor.u32 $0xC, v4;
	v25 =	vor.u32 v51, v10;
	[tilespmem:v22+s12+$0x0] =	vst.idx.msk $0xffff, v13;
	v13 =	vor.u32 v53, v10  }
0x104: {  	[tilespmem:$0x1FED0] =	vst v7;
	v22 =	vor.u32 $0x4, v18;
	v62 =	vor.u32 v54, v10;
	v10 =	vor.u32 v52, v10;
	v6 =	vld.idx.msk [tilespmem:v6+s8+$0x0], $0xffff  }
0x105: {  	v8 =	vor.u32 v53, v50;
	v50 =	vor.u32 v51, v42;
	v5 =	vor.u32 $0x4, v17;
	[tilespmem:$0x1FFD0] =	vst v15;
	v23 =	vld.idx.msk [tilespmem:v23+s8+$0x0], $0xffff  }
0x106: {  	v14 =	vor.u32 $0xC, v3;
	v16 =	vld.idx.msk [tilespmem:v16+s8+$0x0], $0xffff;
	[tilespmem:v30+s12+$0x0] =	vst.idx.msk $0xffff, v9;
	v9 =	vor.u32 v52, v26  }
0x107: {  	v7 =	vor.u32 v53, v42;
	v49 =	vor.u32 v51, v11;
	v24 =	vor.u32 $0x4, v19;
	v15 =	vld.idx.msk [tilespmem:v38+s8+$0x0], $0xffff;
	[tilespmem:$0x1FFF0] =	vst v9  }
0x108: {  	v45 =	vor.u32 v52, v42;
	[tilespmem:v25+s12+$0x0] =	vst.idx.msk $0xffff, v12;
	v0 =	vld.idx.msk [tilespmem:v0+s8+$0x0], $0xffff;
	v12 =	vor.u32 $0x4, v20  }
0x109: {  	v42 =	vor.u32 v54, v26;
	v63 =	vor.u32 $0xB, v1;
	[tilespmem:v10+s12+$0x0] =	vst.idx.msk $0xffff, v21;
	v9 =	vld.idx.msk [tilespmem:v22+s8+$0x0], $0xffff  }
0x10a: {  	v47 =	vor.u32 v53, v11;
	v11 =	vor.u32 $0x580, v55;
	[tilespmem:v29+s12+$0x0] =	vst.idx.msk $0xffff, v6;
	v21 =	vld.idx.msk [tilespmem:v5+s8+$0x0], $0xffff  }
0x10b: {  	v35 =	vmov v28;
	v40 =	vor.u32 v51, v26;
	v26 =	vor.u32 $0x5, v18;
	v14 =	vld.idx.msk [tilespmem:v14+s8+$0x0], $0xffff;
	[tilespmem:v13+s12+$0x0] =	vst.idx.msk $0xffff, v23  }
0x10c: {  	v58 =	vor.u32 $0xD, v4;
	v37 =	vor.u32 v53, v11;
	v13 =	vor.u32 $0xD, v3;
	v23 =	vld.idx.msk [tilespmem:v24+s8+$0x0], $0xffff;
	[tilespmem:v62+s12+$0x0] =	vst.idx.msk $0xffff, v16  }
0x10d: {  	v38 =	vor.u32 v54, v11;
	v25 =	vor.u32 v52, v11;
	[tilespmem:v33+s12+$0x0] =	vst.idx.msk $0xffff, v15;
	v12 =	vld.idx.msk [tilespmem:v12+s8+$0x0], $0xffff  }
0x10e: {  	v15 =	vor.u32 v51, v11;
	v11 =	vld.idx.msk [tilespmem:v63+s8+$0x0], $0xffff;
	[tilespmem:v32+s12+$0x0] =	vst.idx.msk $0xffff, v0;
	v32 =	vor.u32 $0x5, v20  }
0x10f: {  	[tilespmem:v61+s12+$0x0] =	vst.idx.msk $0xffff, v9  }
0x110: {  	v28 =	vor.u32 $0x600, v55;
	v10 =	vor.u32 v52, v27;
	v26 =	vld.idx.msk [tilespmem:v26+s8+$0x0], $0xffff;
	[tilespmem:v35+s12+$0x0] =	vst.idx.msk $0xffff, v14  }
0x111: {  	v31 =	vor.u32 v53, v27;
	v39 =	vor.u32 v51, v27;
	v14 =	vld.idx.msk [tilespmem:v13+s8+$0x0], $0xffff;
	[tilespmem:v8+s12+$0x0] =	vst.idx.msk $0xffff, v23  }
0x112: {  	v27 =	vor.u32 v54, v28;
	v22 =	vor.u32 $0xB, v2;
	v23 =	vld.idx.msk [tilespmem:v58+s8+$0x0], $0xffff;
	[tilespmem:v60+s12+$0x0] =	vst.idx.msk $0xffff, v12  }
0x113: {  	v35 =	vmov v10;
	[tilespmem:v56+s12+$0x0] =	vst.idx.msk $0xffff, v11;
	v10 =	vmov v27;
	v11 =	vld.idx.msk [tilespmem:v32+s8+$0x0], $0xffff  }
0x114: {  	v32 =	vmov v10;
	v10 =	vld [tilespmem:$0x1FEA0];
	_ =	sdelay $0x2  }
0x115: {  	v22 =	vld.idx.msk [tilespmem:v22+s8+$0x0], $0xffff  }
0x116: {  	v33 =	vor.u32 $0xC, v2;
	_ =	sdelay $0x1  }
0x117: {  	[tilespmem:$0x1FFE0] =	vst v31  }
0x118: {  	v31 =	vor.u32 $0x700, v55;
	[tilespmem:v59+s12+$0x0] =	vst.idx.msk $0xffff, v21  }
0x119: {  	v24 =	vor.u32 v53, v28;
	v16 =	vor.u32 $0x680, v55;
	v21 =	vor.u32 $0x780, v55;
	[tilespmem:v10+s12+$0x0] =	vst.idx.msk $0xffff, v22  }
0x11a: {  	v29 =	vor.u32 v53, v16;
	v0 =	vor.u32 v53, v31;
	v59 =	vor.u32 v53, v21;
	v53 =	vld.idx.msk [tilespmem:v33+s8+$0x0], $0xffff  }
0x11b: {  	v33 =	vmovc v35;
	v35 =	vmov v42;
	v42 =	vmov v47;
	v47 =	vmov v7;
	v7 =	vld [tilespmem:$0x1FEB0];
	_ =	sdelay $0x1  }
0x11c: {  	v6 =	vor.u32 v51, v28;
	v5 =	vor.u32 v52, v28;
	v28 =	vor.u32 $0x5, v19;
	_ =	sdelay $0x4  }
0x11d: {  	v30 =	vor.u32 v54, v16;
	v62 =	vor.u32 v51, v16;
	v61 =	vor.u32 v52, v16;
	v16 =	vld.idx.msk [tilespmem:v28+s8+$0x0], $0xffff  }
0x11e: {  	[tilespmem:v7+s12+$0x0] =	vst.idx.msk $0xffff, v14;
	v7 =	vld [tilespmem:$0x1FEC0];
	_ =	sdelay $0x3  }
0x11f: {  	v9 =	vld [tilespmem:$0x1FE90];
	_ =	sdelay $0x3  }
0x120: {  	v13 =	vor.u32 $0x6, v18;
	[tilespmem:v7+s12+$0x0] =	vst.idx.msk $0xffff, v23;
	v7 =	vld [tilespmem:$0x1FED0]  }
0x121: {  	v8 =	vor.u32 $0xE, v3  }
0x122: {  	s20 =	sadd.s32 $0x4, s20  }
0x123: {  	p0 =	slt.u32 s20, $0xC4;
	v63 =	vor.u32 v54, v31;
	v56 =	vor.u32 v52, v31;
	v28 =	vmovc v24;
	v24 =	vor.u32 $0xE, v4  }
.Ltmp0:
0x124: {  	v55 =	vor.u32 v52, v21;
	v58 =	vor.u32 v51, v31;
	v9 =	vld.idx.msk [tilespmem:v9+s8+$0x0], $0xffff;
	[tilespmem:v57+s12+$0x0] =	vst.idx.msk $0xffff, v26;
	(pc) =	sbr.rel @p0 .LBB2_4-.Ltmp0, $4  }
0x125: {  	v52 =	vor.u32 $0xD, v2;
	v31 =	vmovc v39;
	v39 =	vmovc v45;
	v45 =	vmov v49;
	v60 =	vor.u32 v54, v21;
	v54 =	vld.idx.msk [tilespmem:v13+s8+$0x0], $0xffff  }
0x126: {  	v12 =	vor.u32 $0x6, v19;
	v57 =	vor.u32 v51, v21;
	v26 =	vmovc v25;
	v25 =	vmovc v15;
	v51 =	vor.u32 $0x7, v18;
	v8 =	vld.idx.msk [tilespmem:v8+s8+$0x0], $0xffff  }
0x127: {  	v13 =	vor.u32 $0x6, v20;
	v10 =	vor.u32 $0xD, v1;
	v23 =	vmovc v29;
	v29 =	vmovc v37;
	v37 =	vmov v41;
	v41 =	vld [tilespmem:$0x1FEE0]  }
0x128: {  	s21 =	sadd.s32 $0x1, s21;
	[tilespmem:v7+s12+$0x0] =	vst.idx.msk $0xffff, v16;
	v7 =	vld.idx.msk [tilespmem:v24+s8+$0x0], $0xffff;
	v24 =	vmovc v30;
	v30 =	vmov v38;
	v38 =	vmov v36;
	v36 =	vmov v44  }
0x129: {  	v14 =	vor.u32 $0x5, v17;
	_ =	sdelay $0x4  }
0x12a: {  	v14 =	vld.idx.msk [tilespmem:v14+s8+$0x0], $0xffff  }
0x12b: {  	v15 =	vor.u32 $0x6, v17;
	[tilespmem:v34+s12+$0x0] =	vst.idx.msk $0xffff, v11  }
0x12c: {  	v11 =	vld.idx.msk [tilespmem:v13+s8+$0x0], $0xffff  }
0x12d: {  	v21 =	vor.u32 $0x7, v20  }
0x12e: {  	v12 =	vld.idx.msk [tilespmem:v12+s8+$0x0], $0xffff  }
0x12f: {  	v22 =	vor.u32 $0x7, v19;
	[tilespmem:v48+s12+$0x0] =	vst.idx.msk $0xffff, v14  }
0x130: {  	[tilespmem:v50+s12+$0x0] =	vst.idx.msk $0xffff, v54;
	v15 =	vld.idx.msk [tilespmem:v15+s8+$0x0], $0xffff  }
0x131: {  	v34 =	vld.idx.msk [tilespmem:v51+s8+$0x0], $0xffff;
	[tilespmem:v43+s12+$0x0] =	vst.idx.msk $0xffff, v11  }
0x132: {  	v11 =	vld.idx.msk [tilespmem:v21+s8+$0x0], $0xffff;
	v21 =	vor.u32 $0x8, v18  }
0x133: {  	v27 =	vor.u32 $0x8, v20;
	[tilespmem:v47+s12+$0x0] =	vst.idx.msk $0xffff, v12  }
0x134: {  	v16 =	vor.u32 $0x7, v17;
	v12 =	vld.idx.msk [tilespmem:v22+s8+$0x0], $0xffff  }
0x135: {  	[tilespmem:v39+s12+$0x0] =	vst.idx.msk $0xffff, v15;
	v39 =	vor.u32 $0x8, v19  }
0x136: {  	[tilespmem:v45+s12+$0x0] =	vst.idx.msk $0xffff, v34  }
0x137: {  	[tilespmem:v41+s12+$0x0] =	vst.idx.msk $0xffff, v11;
	v14 =	vld.idx.msk [tilespmem:v21+s8+$0x0], $0xffff  }
0x138: {  	v11 =	vld.idx.msk [tilespmem:v27+s8+$0x0], $0xffff  }
0x139: {  	[tilespmem:v42+s12+$0x0] =	vst.idx.msk $0xffff, v12;
	v16 =	vld.idx.msk [tilespmem:v16+s8+$0x0], $0xffff  }
0x13a: {  	v12 =	vld.idx.msk [tilespmem:v39+s8+$0x0], $0xffff;
	_ =	sdelay $0x1  }
0x13b: {  	[tilespmem:v46+s12+$0x0] =	vst.idx.msk $0xffff, v14  }
0x13c: {  	v43 =	vor.u32 $0x9, v20;
	[tilespmem:v37+s12+$0x0] =	vst.idx.msk $0xffff, v11  }
0x13d: {  	v22 =	vor.u32 $0x8, v17;
	[tilespmem:v38+s12+$0x0] =	vst.idx.msk $0xffff, v16  }
0x13e: {  	[tilespmem:v36+s12+$0x0] =	vst.idx.msk $0xffff, v12  }
0x13f: {  	v54 =	vld [tilespmem:$0x1FFB0];
	_ =	sdelay $0x1  }
0x140: {  	v11 =	vld.idx.msk [tilespmem:v43+s8+$0x0], $0xffff  }
0x141: {  	v16 =	vld.idx.msk [tilespmem:v22+s8+$0x0], $0xffff;
	_ =	sdelay $0x2  }
0x142: {  	v45 =	vor.u32 $0x9, v18  }
0x143: {  	v44 =	vor.u32 $0x9, v19;
	[tilespmem:v35+s12+$0x0] =	vst.idx.msk $0xffff, v11  }
0x144: {  	[tilespmem:v54+s12+$0x0] =	vst.idx.msk $0xffff, v16  }
0x145: {  	v11 =	vld [tilespmem:$0x1FFC0];
	_ =	sdelay $0x1  }
0x146: {  	v51 =	vld.idx.msk [tilespmem:v45+s8+$0x0], $0xffff  }
0x147: {  	v49 =	vld.idx.msk [tilespmem:v44+s8+$0x0], $0xffff;
	_ =	sdelay $0x3  }
0x148: {  	v47 =	vor.u32 $0x9, v17;
	[tilespmem:v40+s12+$0x0] =	vst.idx.msk $0xffff, v51  }
0x149: {  	[tilespmem:v11+s12+$0x0] =	vst.idx.msk $0xffff, v49  }
0x14a: {  	v39 =	vld [tilespmem:$0x1FFF0];
	_ =	sdelay $0x2  }
0x14b: {  	v21 =	vld.idx.msk [tilespmem:v47+s8+$0x0], $0xffff;
	_ =	sdelay $0x4  }
0x14c: {  	[tilespmem:v39+s12+$0x0] =	vst.idx.msk $0xffff, v21  }
0x14d: {  	v41 =	vld [tilespmem:$0x1FEF0];
	_ =	sdelay $0x7  }
0x14e: {  	[tilespmem:v41+s12+$0x0] =	vst.idx.msk $0xffff, v9  }
0x14f: {  	v21 =	vld [tilespmem:$0x1FF00];
	_ =	sdelay $0x6  }
0x150: {  	v48 =	vor.u32 $0xA, v20  }
0x151: {  	[tilespmem:v21+s12+$0x0] =	vst.idx.msk $0xffff, v53  }
0x152: {  	v45 =	vld [tilespmem:$0x1FFD0];
	_ =	sdelay $0x2  }
0x153: {  	v36 =	vld.idx.msk [tilespmem:v48+s8+$0x0], $0xffff;
	_ =	sdelay $0x1  }
0x154: {  	v27 =	vor.u32 $0xA, v18  }
0x155: {  	v34 =	vor.u32 $0xA, v17  }
0x156: {  	v50 =	vor.u32 $0xA, v19  }
0x157: {  	[tilespmem:v45+s12+$0x0] =	vst.idx.msk $0xffff, v36  }
0x158: {  	v11 =	vld [tilespmem:$0x1FFE0]  }
0x159: {  	v15 =	vld.idx.msk [tilespmem:v27+s8+$0x0], $0xffff  }
0x15a: {  	v42 =	vld.idx.msk [tilespmem:v34+s8+$0x0], $0xffff  }
0x15b: {  	v37 =	vld.idx.msk [tilespmem:v50+s8+$0x0], $0xffff;
	_ =	sdelay $0x2  }
0x15c: {  	[tilespmem:v31+s12+$0x0] =	vst.idx.msk $0xffff, v15  }
0x15d: {  	[tilespmem:v33+s12+$0x0] =	vst.idx.msk $0xffff, v42  }
0x15e: {  	[tilespmem:v11+s12+$0x0] =	vst.idx.msk $0xffff, v37  }
0x15f: {  	v15 =	vld [tilespmem:$0x1FF10];
	_ =	sdelay $0x1  }
0x160: {  	v38 =	vor.u32 $0xB, v20  }
0x161: {  	v40 =	vor.u32 $0xB, v19;
	_ =	sdelay $0x1  }
0x162: {  	v43 =	vor.u32 $0xB, v18  }
0x163: {  	v44 =	vor.u32 $0xB, v17  }
0x164: {  	v46 =	vld.idx.msk [tilespmem:v38+s8+$0x0], $0xffff  }
0x165: {  	v48 =	vld.idx.msk [tilespmem:v40+s8+$0x0], $0xffff;
	[tilespmem:v15+s12+$0x0] =	vst.idx.msk $0xffff, v8  }
0x166: {  	v54 =	vld [tilespmem:$0x1FF20]  }
0x167: {  	v50 =	vld.idx.msk [tilespmem:v43+s8+$0x0], $0xffff  }
0x168: {  	v53 =	vld.idx.msk [tilespmem:v44+s8+$0x0], $0xffff;
	_ =	sdelay $0x1  }
0x169: {  	[tilespmem:v30+s12+$0x0] =	vst.idx.msk $0xffff, v46  }
0x16a: {  	[tilespmem:v29+s12+$0x0] =	vst.idx.msk $0xffff, v48  }
0x16b: {  	[tilespmem:v25+s12+$0x0] =	vst.idx.msk $0xffff, v50  }
0x16c: {  	[tilespmem:v26+s12+$0x0] =	vst.idx.msk $0xffff, v53  }
0x16d: {  	[tilespmem:v54+s12+$0x0] =	vst.idx.msk $0xffff, v7  }
0x16e: {  	v15 =	vld [tilespmem:$0x1FF30];
	_ =	sdelay $0x1  }
0x16f: {  	v47 =	vor.u32 $0xC, v20  }
0x170: {  	v49 =	vor.u32 $0xC, v19;
	v21 =	vld.idx.msk [tilespmem:v10+s8+$0x0], $0xffff;
	_ =	sdelay $0x1  }
0x171: {  	v51 =	vor.u32 $0xC, v18  }
0x172: {  	v22 =	vor.u32 $0xC, v17  }
0x173: {  	v12 =	vld.idx.msk [tilespmem:v47+s8+$0x0], $0xffff  }
0x174: {  	v9 =	vld.idx.msk [tilespmem:v49+s8+$0x0], $0xffff;
	[tilespmem:v15+s12+$0x0] =	vst.idx.msk $0xffff, v21  }
0x175: {  	v15 =	vld [tilespmem:$0x1FF40]  }
0x176: {  	v8 =	vld.idx.msk [tilespmem:v51+s8+$0x0], $0xffff  }
0x177: {  	v10 =	vld.idx.msk [tilespmem:v22+s8+$0x0], $0xffff  }
0x178: {  	v27 =	vld.idx.msk [tilespmem:v52+s8+$0x0], $0xffff  }
0x179: {  	[tilespmem:v32+s12+$0x0] =	vst.idx.msk $0xffff, v12  }
0x17a: {  	[tilespmem:v28+s12+$0x0] =	vst.idx.msk $0xffff, v9  }
0x17b: {  	[tilespmem:v6+s12+$0x0] =	vst.idx.msk $0xffff, v8  }
0x17c: {  	v4 =	vor.u32 $0xF, v4;
	[tilespmem:v5+s12+$0x0] =	vst.idx.msk $0xffff, v10  }
0x17d: {  	[tilespmem:v15+s12+$0x0] =	vst.idx.msk $0xffff, v27  }
0x17e: {  	v10 =	vld [tilespmem:$0x1FF80];
	_ =	sdelay $0x1  }
0x17f: {  	v30 =	vor.u32 $0xD, v20  }
0x180: {  	v31 =	vor.u32 $0xD, v19;
	v4 =	vld.idx.msk [tilespmem:v4+s8+$0x0], $0xffff;
	_ =	sdelay $0x1  }
0x181: {  	v33 =	vor.u32 $0xD, v18  }
0x182: {  	v34 =	vor.u32 $0xD, v17  }
0x183: {  	v3 =	vor.u32 $0xF, v3;
	v13 =	vld.idx.msk [tilespmem:v30+s8+$0x0], $0xffff  }
0x184: {  	v37 =	vld.idx.msk [tilespmem:v31+s8+$0x0], $0xffff;
	[tilespmem:v10+s12+$0x0] =	vst.idx.msk $0xffff, v4  }
0x185: {  	v42 =	vld [tilespmem:$0x1FF70]  }
0x186: {  	v7 =	vld.idx.msk [tilespmem:v33+s8+$0x0], $0xffff  }
0x187: {  	v40 =	vld.idx.msk [tilespmem:v34+s8+$0x0], $0xffff  }
0x188: {  	v3 =	vld.idx.msk [tilespmem:v3+s8+$0x0], $0xffff  }
0x189: {  	[tilespmem:v24+s12+$0x0] =	vst.idx.msk $0xffff, v13  }
0x18a: {  	[tilespmem:v23+s12+$0x0] =	vst.idx.msk $0xffff, v37  }
0x18b: {  	[tilespmem:v62+s12+$0x0] =	vst.idx.msk $0xffff, v7  }
0x18c: {  	v35 =	vor.u32 $0xE, v1;
	[tilespmem:v61+s12+$0x0] =	vst.idx.msk $0xffff, v40  }
0x18d: {  	[tilespmem:v42+s12+$0x0] =	vst.idx.msk $0xffff, v3  }
0x18e: {  	v51 =	vld [tilespmem:$0x1FF60];
	_ =	sdelay $0x1  }
0x18f: {  	v38 =	vor.u32 $0xE, v20  }
0x190: {  	v39 =	vor.u32 $0xE, v19;
	v43 =	vld.idx.msk [tilespmem:v35+s8+$0x0], $0xffff;
	_ =	sdelay $0x1  }
0x191: {  	v41 =	vor.u32 $0xE, v18  }
0x192: {  	v44 =	vor.u32 $0xE, v17  }
0x193: {  	v36 =	vor.u32 $0xE, v2;
	v47 =	vld.idx.msk [tilespmem:v38+s8+$0x0], $0xffff  }
0x194: {  	v5 =	vld.idx.msk [tilespmem:v39+s8+$0x0], $0xffff;
	[tilespmem:v51+s12+$0x0] =	vst.idx.msk $0xffff, v43  }
0x195: {  	v54 =	vld [tilespmem:$0x1FF50]  }
0x196: {  	v50 =	vld.idx.msk [tilespmem:v41+s8+$0x0], $0xffff  }
0x197: {  	v53 =	vld.idx.msk [tilespmem:v44+s8+$0x0], $0xffff  }
0x198: {  	v9 =	vld.idx.msk [tilespmem:v36+s8+$0x0], $0xffff  }
0x199: {  	[tilespmem:v63+s12+$0x0] =	vst.idx.msk $0xffff, v47  }
0x19a: {  	[tilespmem:v0+s12+$0x0] =	vst.idx.msk $0xffff, v5  }
0x19b: {  	[tilespmem:v58+s12+$0x0] =	vst.idx.msk $0xffff, v50  }
0x19c: {  	v45 =	vor.u32 $0xF, v1;
	[tilespmem:v56+s12+$0x0] =	vst.idx.msk $0xffff, v53  }
0x19d: {  	[tilespmem:v54+s12+$0x0] =	vst.idx.msk $0xffff, v9  }
0x19e: {  	v5 =	vld [tilespmem:$0x1FFA0];
	_ =	sdelay $0x1  }
0x19f: {  	v48 =	vor.u32 $0xF, v20  }
0x1a0: {  	v49 =	vor.u32 $0xF, v19;
	v1 =	vld.idx.msk [tilespmem:v45+s8+$0x0], $0xffff;
	_ =	sdelay $0x1  }
0x1a1: {  	v52 =	vor.u32 $0xF, v18  }
0x1a2: {  	v61 =	vor.u32 $0xF, v17  }
0x1a3: {  	v46 =	vor.u32 $0xF, v2;
	v62 =	vld.idx.msk [tilespmem:v48+s8+$0x0], $0xffff  }
0x1a4: {  	v4 =	vld.idx.msk [tilespmem:v49+s8+$0x0], $0xffff;
	[tilespmem:v5+s12+$0x0] =	vst.idx.msk $0xffff, v1  }
0x1a5: {  	v5 =	vld [tilespmem:$0x1FF90]  }
0x1a6: {  	v3 =	vld.idx.msk [tilespmem:v52+s8+$0x0], $0xffff  }
0x1a7: {  	v63 =	vld.idx.msk [tilespmem:v61+s8+$0x0], $0xffff  }
0x1a8: {  	v2 =	vld.idx.msk [tilespmem:v46+s8+$0x0], $0xffff  }
0x1a9: {  	s18 =	smul.u32 $0x640000, s17;
	[tilespmem:v60+s12+$0x0] =	vst.idx.msk $0xffff, v62  }
0x1aa: {  	[tilespmem:v59+s12+$0x0] =	vst.idx.msk $0xffff, v4  }
0x1ab: {  	s17 =	sadd.s32 $0x1, s17;
	s18 =	sadd.s32 s16, s18;
	[tilespmem:v57+s12+$0x0] =	vst.idx.msk $0xffff, v3  }
0x1ac: {  	p0 =	sne.s32 s17, $0x4;
	s18 =	sshrl.u32 s18, $0x3;
	[tilespmem:v55+s12+$0x0] =	vst.idx.msk $0xffff, v63  }
.Ltmp1:
0x1ad: {  	s18 =	sadd.s32 s2, s18;
	[tilespmem:v5+s12+$0x0] =	vst.idx.msk $0xffff, v2;
	(pc) =	sbr.rel @p0 .LBB2_3-.Ltmp1, $4  }
0x1ae: {  	[hbm4b:s18+s10] =	stream.strided.scatter [tilespmem:s12], [sflag:$0x1], $0xC800, s11, s10, $0x38;
	[tilespmem:$0x14500] =	vst v63  }
0x1af: {  	_ =	swait.ge [sflag:s9], $0xC800  }
0x1b0: {  	[sflag:s9] =	ssyncset.done $0x0  }
0x1b1: {  	v46 =	vlaneseq.u32;
	[sflag:s9] =	ssyncadd.s32 $0xFFFF3800  }
0x1b2: {  	s14 =	sadd.s32 $0x1, s14  }
0x1b3: {  	p0 =	sne.s32 s14, $0x4  }
.Ltmp2:
0x1b4: {  	_ = 	snop;
	(pc) =	sbr.rel @p0 .LBB2_2-.Ltmp2, $1  }
0x1b5: {  	_ =	sdelay $0x3  }
0x1b6: {  	s13 =	sadd.s32 $0x1, s13  }
0x1b7: {  	p0 =	sne.s32 s13, s7  }
.Ltmp3:
0x1b8: {  	_ = 	snop;
	(pc) =	sbr.rel @p0 .LBB2_1-.Ltmp3, $1  }
0x1b9: {  	_ =	sdelay $0x3  }
0x1ba: {  	_ =	sfence.sel $0x180000  }
0x1bb: {  	[bflag:$0x0] =	sbarrier.arrive $0xFFFF  }
0x1bc: {  	p0 =	sne.s32 s4, $0x0;
	_ =	strace $0x90000047  }
0x1bd: {  	s0 =	sadd.s32 @!p0 $0x100000, s0;
	[bflag:$0x2] =	sbarrier.arrive $0xFFFF  }
0x1be: {  	[sflag:s0] =	ssyncadd.tile.s32 @!p0 $0x1;
	_ =	shalt  }
.Lfunc_end2:
_tile_overlayer_lowered:
.L_overlay_start_2:
0x1bf: {  	(tag) =	ssettag $0x2  }
0x1c0: {  	s0 =	rddreg [dreg:$0x0];
	s2 =	stileid.u32  }
0x1c1: {  	s1 =	rddreg [dreg:$0x1];
	p0 =	sne.s32 s2, $0x0  }
0x1c2: {  	s3 =	rddreg [dreg:$0x2];
	[bflag:$0x3] =	sbarrier.arrive $0xFFFF;
	s2 =	simm.s32 @!p0 $0x1C01  }
0x1c3: {  	[timem:s3], [sflag:s2] =	dma.local @!p0 [hbm:s0], s1  }
0x1c4: {  	s0 =	simm.s32 @!p0 $0x1  }
0x1c5: {  	_ =	swait.ge @!p0 [sflag:s0], s1  }
0x1c6: {  	s1 =	ssub.s32 @!p0 $0x0, s1;
	[sflag:s0] =	ssyncset.done @!p0 $0x0  }
0x1c7: {  	[sflag:s0] =	ssyncadd.s32 @!p0 s1  }
0x1c8: {  	[bflag:$0x3] =	sbarrier.arrive $0xFFFF  }
0x1c9: {  	_ =	shalt  }

</sc_bundles>
